<compile_context>
chip_gen: v7x
topology: tpu7x:2x2x1
jax: 0.10.2.dev20260603
libtpu: 0.0.44.dev20260713+nightly
codegen_flags: <defaults>
</compile_context>

<pallas_src>
import functools

import jax
import jax.numpy as jnp
from jax import lax
from jax.experimental import pallas as pl
from jax.experimental.pallas import tpu as pltpu
from jax.experimental.pallas import tpu_sc as plsc

D_MODEL = 256
N_PIECE = 8
N_COLOR = 3
N_TRAJ = 5
N_COMBO = N_PIECE * N_COLOR * N_TRAJ


def _idx_body(board, color, traj, idx_out):
    s_iota = lax.broadcasted_iota(jnp.int32, board.shape, 1)
    idx_out[...] = (s_iota * N_COMBO + board[...] * (N_COLOR * N_TRAJ)
                    + color[...] * N_TRAJ + traj[...])


def _build_idx(board, color, traj, block_b):
    B, S = board.shape
    spec = pl.BlockSpec((block_b, S), lambda i: (i, 0))
    return pl.pallas_call(
        _idx_body,
        grid=(B // block_b,),
        in_specs=[spec, spec, spec],
        out_specs=spec,
        out_shape=jax.ShapeDtypeStruct((B, S), jnp.int32),
    )(board, color, traj)


def _table_body(s_count, piece_w, color_w, square_w, traj_w, gamma, beta,
                table_out):
    R = table_out.shape[0]

    j = lax.broadcasted_iota(jnp.int32, (R, 1), 0)
    s_idx = j // N_COMBO
    r = j % N_COMBO
    p_idx = r // (N_COLOR * N_TRAJ)
    c_idx = (r % (N_COLOR * N_TRAJ)) // N_TRAJ
    t_idx = r % N_TRAJ

    def onehot(ii, n):
        cols = lax.broadcasted_iota(jnp.int32, (R, n), 1)
        return (ii == cols).astype(jnp.float32)

    x = (jnp.dot(onehot(p_idx, N_PIECE), piece_w[...],
                 preferred_element_type=jnp.float32)
         + jnp.dot(onehot(c_idx, N_COLOR), color_w[...],
                   preferred_element_type=jnp.float32)
         + jnp.dot(onehot(s_idx, s_count), square_w[...],
                   preferred_element_type=jnp.float32)
         + jnp.dot(onehot(t_idx, N_TRAJ), traj_w[...],
                   preferred_element_type=jnp.float32))
    mean = jnp.mean(x, axis=-1, keepdims=True)
    var = jnp.mean(jnp.square(x - mean), axis=-1, keepdims=True)
    x_norm = (x - mean) / jnp.sqrt(var + 1e-5)
    table_out[...] = x_norm * gamma[...] + beta[...]


def _build_table(s_count, piece_w, color_w, square_w, traj_w, gamma, beta):
    R = s_count * N_COMBO
    return pl.pallas_call(
        functools.partial(_table_body, s_count),
        out_shape=jax.ShapeDtypeStruct((R, D_MODEL), jnp.float32),
    )(piece_w, color_w, square_w, traj_w, gamma, beta)


def _sc_gather_t(table, idx_ordered, B, S, chunk, nbuf):
    info = plsc.get_sparse_core_info()
    nw = info.num_cores * info.num_subcores
    b_per_w = B // nw
    cpr = b_per_w // chunk
    n_chunks = S * cpr
    n_groups = n_chunks // nbuf
    per_w = S * b_per_w
    assert B % nw == 0 and b_per_w % chunk == 0 and n_chunks % nbuf == 0
    assert chunk % 8 == 0 and chunk <= 128
    mesh = plsc.VectorSubcoreMesh(core_axis_name="c", subcore_axis_name="s")

    @functools.partial(
        pl.kernel,
        mesh=mesh,
        out_type=jax.ShapeDtypeStruct((S, B, D_MODEL), jnp.float32),
        scratch_types=(
            [pltpu.VMEM((per_w,), jnp.int32)]
            + [pltpu.VMEM((chunk, D_MODEL), jnp.float32)] * nbuf
            + [pltpu.SemaphoreType.DMA] * (2 * nbuf)
        ),
    )
    def gather_kernel(table_hbm, idx_hbm, out_hbm, idx_v, *bufs_sems):
        rows = bufs_sems[:nbuf]
        gsem = bufs_sems[nbuf:2 * nbuf]
        ssem = bufs_sems[2 * nbuf:]
        wid = lax.axis_index("s") * info.num_cores + lax.axis_index("c")
        base_b = wid * b_per_w
        pltpu.sync_copy(idx_hbm.at[pl.ds(wid * per_w, per_w)], idx_v)

        def start_g(i, b):
            pltpu.make_async_copy(
                table_hbm.at[idx_v.at[pl.ds(i * chunk, chunk)]], rows[b],
                gsem[b]).start()

        def wait_g(b):
            pltpu.make_async_copy(
                table_hbm.at[idx_v.at[pl.ds(0, chunk)]], rows[b],
                gsem[b]).wait()

        s_off = (wid * S) // nw

        def start_s(i, b):
            s = lax.rem(i // cpr + s_off, S)
            boff = base_b + (i % cpr) * chunk
            pltpu.make_async_copy(
                rows[b], out_hbm.at[s, pl.ds(boff, chunk)], ssem[b]).start()

        def wait_s(b):
            pltpu.make_async_copy(
                rows[b], out_hbm.at[0, pl.ds(base_b, chunk)], ssem[b]).wait()

        for b in range(nbuf):
            start_g(b, b)

        def body(j, _):
            i0 = j * nbuf
            for b in range(nbuf):
                wait_g(b)
                start_s(i0 + b, b)
            for b in range(nbuf):
                wait_s(b)
                start_g(i0 + nbuf + b, b)
            return ()

        lax.fori_loop(0, n_groups - 1, body, ())

        i0 = (n_groups - 1) * nbuf
        for b in range(nbuf):
            wait_g(b)
            start_s(i0 + b, b)
        for b in range(nbuf):
            wait_s(b)

    return gather_kernel(table, idx_ordered)


def kernel(board_tokens, color_tokens, trajectory_tokens, piece_w, color_w,
           square_w, traj_w, ln_gamma, ln_beta):
    B, S = board_tokens.shape
    board = board_tokens.astype(jnp.int32)
    color = color_tokens.astype(jnp.int32)
    traj = trajectory_tokens.astype(jnp.int32)
    table = _build_table(S, piece_w, color_w, square_w[:S], traj_w,
                         ln_gamma.reshape(1, D_MODEL),
                         ln_beta.reshape(1, D_MODEL))
    idx = _build_idx(board, color, traj, 2048)

    info = plsc.get_sparse_core_info()
    nw = info.num_cores * info.num_subcores
    b_per_w = B // nw
    idx_wsb = idx.T.reshape(S, nw, b_per_w).transpose(1, 0, 2)
    s_off = (jnp.arange(nw) * S) // nw
    s_order = (jnp.arange(S)[None, :] + s_off[:, None]) % S
    idx_ordered = jnp.take_along_axis(
        idx_wsb, s_order[:, :, None], axis=1).reshape(-1)
    out_t = _sc_gather_t(table, idx_ordered, B, S, 64, 5)
    return out_t.transpose(1, 0, 2)

# --- scband reference (transcript-rebuilt; emitter-appended) ---
"""Pipeline reference for scband-embedding-layer-49125835931716 (READ-ONLY COPY).

The authoritative reference and input builder live on the scoring server;
editing this copy changes nothing except your own understanding.
"""

import math
import jax, jax.numpy as jnp
import numpy as np

D_MODEL = 256
PIECE_VOCAB_SIZE = 8
COLOR_VOCAB_SIZE = 3
SQUARE_VOCAB_SIZE = 65
TRAJECTORY_VOCAB_SIZE = 5
_ROLE_SCALE = 0.02
_ROLE_FEATURES = [[0.0, 0.0, 0.0, 0.0, 0.0, 0.0, 0.0], [0.0, 0.0, 0.0, 0.0, 0.0, 0.0, 1.0], [0.1, 0.1, 0.5, 0.0, 0.0, 0.0, 0.9], [0.3, 0.4, 0.0, 0.0, 1.0, 0.0, 0.4], [0.3, 0.6, 0.0, 1.0, 0.0, 0.0, 0.3], [0.5, 0.7, 1.0, 0.0, 0.0, 0.0, 0.3], [0.9, 1.0, 1.0, 1.0, 0.0, 0.0, 0.1], [1.0, 0.2, 0.5, 0.5, 0.0, 1.0, 0.1]]


def _build_square_weights():
    w = np.zeros((SQUARE_VOCAB_SIZE, D_MODEL), dtype=np.float32)
    for s in range(1, SQUARE_VOCAB_SIZE):
        rank = (s - 1) // 8
        file = (s - 1) % 8
        for d in range(D_MODEL):
            freq = 10000.0 ** (d / D_MODEL)
            pattern = d % 4
            if pattern == 0:
                w[s, d] = math.sin(rank / freq)
            elif pattern == 1:
                w[s, d] = math.cos(rank / freq)
            elif pattern == 2:
                w[s, d] = math.sin(file / freq)
            else:
                w[s, d] = math.cos(file / freq)
    return jnp.asarray(w)


def _build_piece_weights():
    w = np.zeros((PIECE_VOCAB_SIZE, D_MODEL), dtype=np.float32)
    for i, features in enumerate(_ROLE_FEATURES):
        ft = np.array(features, dtype=np.float32)
        reps = math.ceil(D_MODEL / len(features))
        tiled = np.tile(ft, reps)[:D_MODEL]
        w[i] = tiled * _ROLE_SCALE
    return jnp.asarray(w)


def setup_inputs(seed: int = 0) -> dict:
    key = jax.random.key(seed)
    k1, k2, k3, k4, k5 = jax.random.split(key, 5)
    B, S = 16384, 65
    board_tokens = jax.random.randint(k1, (B, S), 0, PIECE_VOCAB_SIZE, dtype=jnp.int64 if jax.config.jax_enable_x64 else jnp.int32)
    color_tokens = jax.random.randint(k2, (B, S), 0, COLOR_VOCAB_SIZE, dtype=jnp.int64 if jax.config.jax_enable_x64 else jnp.int32)
    trajectory_tokens = jax.random.randint(k3, (B, S), 0, TRAJECTORY_VOCAB_SIZE, dtype=jnp.int64 if jax.config.jax_enable_x64 else jnp.int32)
    piece_w = _build_piece_weights()
    square_w = _build_square_weights()
    color_w = jax.random.normal(k4, (COLOR_VOCAB_SIZE, D_MODEL), dtype=jnp.float32)
    traj_w = jax.random.normal(k5, (TRAJECTORY_VOCAB_SIZE, D_MODEL), dtype=jnp.float32)
    ln_gamma = jnp.ones((D_MODEL,), dtype=jnp.float32)
    ln_beta = jnp.zeros((D_MODEL,), dtype=jnp.float32)
    return {
        "board_tokens": board_tokens,
        "color_tokens": color_tokens,
        "trajectory_tokens": trajectory_tokens,
        "piece_w": piece_w,
        "color_w": color_w,
        "square_w": square_w,
        "traj_w": traj_w,
        "ln_gamma": ln_gamma,
        "ln_beta": ln_beta,
    }


def reference(board_tokens, color_tokens, trajectory_tokens, piece_w, color_w, square_w, traj_w, ln_gamma, ln_beta):
    B, S = board_tokens.shape
    sq_idx = jnp.arange(S)
    x = (jnp.take(piece_w, board_tokens, axis=0)
         + jnp.take(color_w, color_tokens, axis=0)
         + jnp.take(square_w, sq_idx, axis=0)[None, :, :]
         + jnp.take(traj_w, trajectory_tokens, axis=0))
    mean = jnp.mean(x, axis=-1, keepdims=True)
    var = jnp.var(x, axis=-1, keepdims=True)
    x_norm = (x - mean) / jnp.sqrt(var + 1e-5)
    out = x_norm * ln_gamma + ln_beta
    # dropout is identity in eval mode
    return out

if __name__ == "__main__":
    import jax
    _d = setup_inputs()
    print(jax.jit(kernel)(*tuple(_d.values())))

</pallas_src>

<mosaic_0001>
#map = affine_map<(d0, d1) -> (0, 0)>
#map1 = affine_map<(d0, d1) -> (0)>
#map2 = affine_map<(d0, d1) -> (0, 0, 0)>
module attributes {stable_mosaic.version = 14 : i64} {
  func.func @gather_kernel(%arg0: i32, %arg1: i32, %arg2: memref<7800x256xf32, #tpu.memory_space<hbm>>, %arg3: memref<1064960xi32, #tpu.memory_space<hbm>>, %arg4: memref<65x16384x256xf32, #tpu.memory_space<hbm>>, %arg5: memref<33280xi32, #tpu.memory_space<vmem>>, %arg6: memref<64x256xf32, #tpu.memory_space<vmem>>, %arg7: memref<64x256xf32, #tpu.memory_space<vmem>>, %arg8: memref<64x256xf32, #tpu.memory_space<vmem>>, %arg9: memref<64x256xf32, #tpu.memory_space<vmem>>, %arg10: memref<64x256xf32, #tpu.memory_space<vmem>>, %arg11: memref<!tpu.dma_semaphore, #tpu.memory_space<semaphore_mem>>, %arg12: memref<!tpu.dma_semaphore, #tpu.memory_space<semaphore_mem>>, %arg13: memref<!tpu.dma_semaphore, #tpu.memory_space<semaphore_mem>>, %arg14: memref<!tpu.dma_semaphore, #tpu.memory_space<semaphore_mem>>, %arg15: memref<!tpu.dma_semaphore, #tpu.memory_space<semaphore_mem>>, %arg16: memref<!tpu.dma_semaphore, #tpu.memory_space<semaphore_mem>>, %arg17: memref<!tpu.dma_semaphore, #tpu.memory_space<semaphore_mem>>, %arg18: memref<!tpu.dma_semaphore, #tpu.memory_space<semaphore_mem>>, %arg19: memref<!tpu.dma_semaphore, #tpu.memory_space<semaphore_mem>>, %arg20: memref<!tpu.dma_semaphore, #tpu.memory_space<semaphore_mem>>) attributes {dimension_semantics = [#tpu.dimension_semantics<core_parallel>, #tpu.dimension_semantics<subcore_parallel>], iteration_bounds = array<i64: 2, 16>, scalar_prefetch = 0 : i64, scratch_operands = 16 : i64, tpu.core_type = #tpu.core_type<sc_vector_subcore>, window_params = [{transform_indices = #map}, {transform_indices = #map1}, {transform_indices = #map2}]} {
    %mul3A = arith.constant 2 : i32
    %mul3A_0 = arith.muli %arg1, %mul3A : i32
    %add3A = arith.addi %mul3A_0, %arg0 : i32
    %mul3A_1 = arith.constant 512 : i32
    %mul3A_2 = arith.muli %add3A, %mul3A_1 : i32
    %mul3A_3 = arith.constant 33280 : i32
    %mul3A_4 = arith.muli %add3A, %mul3A_3 : i32
    "tpu.region"() ({
      %run_scoped3A = tpu.sem_alloc : memref<!tpu.dma_semaphore, #tpu.memory_space<semaphore_mem>>
      %dma_start3A_170 = tpu.memref_slice %arg3[%mul3A_4] : memref<1064960xi32, #tpu.memory_space<hbm>> -> memref<33280xi32, #tpu.memory_space<hbm>>
      %dma_start3A_171 = tpu.memref_slice %arg3[%mul3A_4] : memref<1064960xi32, #tpu.memory_space<hbm>> -> memref<33280xi32, #tpu.memory_space<hbm>>
      tpu.enqueue_dma source(%dma_start3A_171 : memref<33280xi32, #tpu.memory_space<hbm>>) target(%arg5 : memref<33280xi32, #tpu.memory_space<vmem>>) target_semaphore(%run_scoped3A : memref<!tpu.dma_semaphore, #tpu.memory_space<semaphore_mem>>)
      %dma_wait3A_172 = tpu.memref_slice %arg3[%mul3A_4] : memref<1064960xi32, #tpu.memory_space<hbm>> -> memref<33280xi32, #tpu.memory_space<hbm>>
      %dma_wait3A_173 = tpu.memref_slice %arg3[%mul3A_4] : memref<1064960xi32, #tpu.memory_space<hbm>> -> memref<33280xi32, #tpu.memory_space<hbm>>
      tpu.wait_dma2 semaphore(%run_scoped3A : memref<!tpu.dma_semaphore, #tpu.memory_space<semaphore_mem>>) src(%dma_wait3A_173 : memref<33280xi32, #tpu.memory_space<hbm>>) dst(%arg5 : memref<33280xi32, #tpu.memory_space<vmem>>)
      tpu.yield
    }) : () -> ()
    %mul3A_5 = arith.constant 65 : i32
    %mul3A_6 = arith.muli %add3A, %mul3A_5 : i32
    %jit3A = arith.constant 32 : i32
    %div3A = arith.divsi %mul3A_6, %jit3A : i32
    %sign3A = arith.constant 0 : i32
    %sign3A_7 = arith.cmpi sgt, %mul3A_6, %sign3A : i32
    %sign3A_8 = arith.extui %sign3A_7 : i1 to i32
    %sign3A_9 = arith.constant 0 : i32
    %sign3A_10 = arith.cmpi slt, %mul3A_6, %sign3A_9 : i32
    %sign3A_11 = arith.extui %sign3A_10 : i1 to i32
    %sign3A_12 = arith.subi %sign3A_8, %sign3A_11 : i32
    %sign3A_13 = arith.constant 0 : i32
    %sign3A_14 = arith.cmpi sgt, %jit3A, %sign3A_13 : i32
    %sign3A_15 = arith.extui %sign3A_14 : i1 to i32
    %sign3A_16 = arith.constant 0 : i32
    %sign3A_17 = arith.cmpi slt, %jit3A, %sign3A_16 : i32
    %sign3A_18 = arith.extui %sign3A_17 : i1 to i32
    %sign3A_19 = arith.subi %sign3A_15, %sign3A_18 : i32
    %ne3A = arith.cmpi ne, %sign3A_12, %sign3A_19 : i32
    %rem3A = arith.remsi %mul3A_6, %jit3A : i32
    %ne3A_20 = arith.constant 0 : i32
    %ne3A_21 = arith.cmpi ne, %rem3A, %ne3A_20 : i32
    %and3A = arith.andi %ne3A, %ne3A_21 : i1
    %sub3A = arith.constant 1 : i32
    %sub3A_22 = arith.subi %div3A, %sub3A : i32
    %select_n3A = arith.select %and3A, %sub3A_22, %div3A : i32
    %dma_start3A = arith.constant 0 : i32
    %dma_start3A_23 = tpu.memref_slice %arg5[%dma_start3A] : memref<33280xi32, #tpu.memory_space<vmem>> -> memref<64xi32, #tpu.memory_space<vmem>>
    %dma_start3A_24 = arith.constant 0 : i32
    %dma_start3A_25 = arith.constant 0 : i32
    %dma_start3A_26 = tpu.memref_slice %arg2[%dma_start3A_24, %dma_start3A_25] : memref<7800x256xf32, #tpu.memory_space<hbm>> -> memref<7800x256xf32, #tpu.memory_space<hbm>>
    tpu.enqueue_indirect_dma source(%dma_start3A_26 : memref<7800x256xf32, #tpu.memory_space<hbm>>) target(%arg6 : memref<64x256xf32, #tpu.memory_space<vmem>>) offsets(%dma_start3A_23 : memref<64xi32, #tpu.memory_space<vmem>>) semaphore(%arg11 : memref<!tpu.dma_semaphore, #tpu.memory_space<semaphore_mem>>)
    %dma_start3A_27 = arith.constant 64 : i32
    %dma_start3A_28 = tpu.memref_slice %arg5[%dma_start3A_27] : memref<33280xi32, #tpu.memory_space<vmem>> -> memref<64xi32, #tpu.memory_space<vmem>>
    %dma_start3A_29 = arith.constant 0 : i32
    %dma_start3A_30 = arith.constant 0 : i32
    %dma_start3A_31 = tpu.memref_slice %arg2[%dma_start3A_29, %dma_start3A_30] : memref<7800x256xf32, #tpu.memory_space<hbm>> -> memref<7800x256xf32, #tpu.memory_space<hbm>>
    tpu.enqueue_indirect_dma source(%dma_start3A_31 : memref<7800x256xf32, #tpu.memory_space<hbm>>) target(%arg7 : memref<64x256xf32, #tpu.memory_space<vmem>>) offsets(%dma_start3A_28 : memref<64xi32, #tpu.memory_space<vmem>>) semaphore(%arg12 : memref<!tpu.dma_semaphore, #tpu.memory_space<semaphore_mem>>)
    %dma_start3A_32 = arith.constant 128 : i32
    %dma_start3A_33 = tpu.memref_slice %arg5[%dma_start3A_32] : memref<33280xi32, #tpu.memory_space<vmem>> -> memref<64xi32, #tpu.memory_space<vmem>>
    %dma_start3A_34 = arith.constant 0 : i32
    %dma_start3A_35 = arith.constant 0 : i32
    %dma_start3A_36 = tpu.memref_slice %arg2[%dma_start3A_34, %dma_start3A_35] : memref<7800x256xf32, #tpu.memory_space<hbm>> -> memref<7800x256xf32, #tpu.memory_space<hbm>>
    tpu.enqueue_indirect_dma source(%dma_start3A_36 : memref<7800x256xf32, #tpu.memory_space<hbm>>) target(%arg8 : memref<64x256xf32, #tpu.memory_space<vmem>>) offsets(%dma_start3A_33 : memref<64xi32, #tpu.memory_space<vmem>>) semaphore(%arg13 : memref<!tpu.dma_semaphore, #tpu.memory_space<semaphore_mem>>)
    %dma_start3A_37 = arith.constant 192 : i32
    %dma_start3A_38 = tpu.memref_slice %arg5[%dma_start3A_37] : memref<33280xi32, #tpu.memory_space<vmem>> -> memref<64xi32, #tpu.memory_space<vmem>>
    %dma_start3A_39 = arith.constant 0 : i32
    %dma_start3A_40 = arith.constant 0 : i32
    %dma_start3A_41 = tpu.memref_slice %arg2[%dma_start3A_39, %dma_start3A_40] : memref<7800x256xf32, #tpu.memory_space<hbm>> -> memref<7800x256xf32, #tpu.memory_space<hbm>>
    tpu.enqueue_indirect_dma source(%dma_start3A_41 : memref<7800x256xf32, #tpu.memory_space<hbm>>) target(%arg9 : memref<64x256xf32, #tpu.memory_space<vmem>>) offsets(%dma_start3A_38 : memref<64xi32, #tpu.memory_space<vmem>>) semaphore(%arg14 : memref<!tpu.dma_semaphore, #tpu.memory_space<semaphore_mem>>)
    %dma_start3A_42 = arith.constant 256 : i32
    %dma_start3A_43 = tpu.memref_slice %arg5[%dma_start3A_42] : memref<33280xi32, #tpu.memory_space<vmem>> -> memref<64xi32, #tpu.memory_space<vmem>>
    %dma_start3A_44 = arith.constant 0 : i32
    %dma_start3A_45 = arith.constant 0 : i32
    %dma_start3A_46 = tpu.memref_slice %arg2[%dma_start3A_44, %dma_start3A_45] : memref<7800x256xf32, #tpu.memory_space<hbm>> -> memref<7800x256xf32, #tpu.memory_space<hbm>>
    tpu.enqueue_indirect_dma source(%dma_start3A_46 : memref<7800x256xf32, #tpu.memory_space<hbm>>) target(%arg10 : memref<64x256xf32, #tpu.memory_space<vmem>>) offsets(%dma_start3A_43 : memref<64xi32, #tpu.memory_space<vmem>>) semaphore(%arg15 : memref<!tpu.dma_semaphore, #tpu.memory_space<semaphore_mem>>)
    %scan3A = arith.constant 0 : i32
    %scan3A_47 = arith.constant 103 : i32
    %scan3A_48 = arith.addi %scan3A, %scan3A_47 : i32
    %scan3A_49 = arith.constant 1 : i32
    scf.for %scan3A_170 = %scan3A to %scan3A_48 step %scan3A_49  : i32 {
      %mul3A_171 = arith.constant 5 : i32
      %mul3A_172 = arith.muli %scan3A_170, %mul3A_171 : i32
      %dma_wait3A_173 = arith.constant 0 : i32
      %dma_wait3A_174 = tpu.memref_slice %arg5[%dma_wait3A_173] : memref<33280xi32, #tpu.memory_space<vmem>> -> memref<64xi32, #tpu.memory_space<vmem>>
      %dma_wait3A_175 = arith.constant 0 : i32
      %dma_wait3A_176 = arith.constant 0 : i32
      %dma_wait3A_177 = tpu.memref_slice %arg2[%dma_wait3A_175, %dma_wait3A_176] : memref<7800x256xf32, #tpu.memory_space<hbm>> -> memref<7800x256xf32, #tpu.memory_space<hbm>>
      tpu.wait_indirect_dma semaphore(%arg11 : memref<!tpu.dma_semaphore, #tpu.memory_space<semaphore_mem>>) src(%dma_wait3A_177 : memref<7800x256xf32, #tpu.memory_space<hbm>>) dst(%arg6 : memref<64x256xf32, #tpu.memory_space<vmem>>)
      %add3A_178 = arith.constant 0 : i32
      %add3A_179 = arith.addi %mul3A_172, %add3A_178 : i32
      %jit3A_180 = arith.constant 8 : i32
      %div3A_181 = arith.divsi %add3A_179, %jit3A_180 : i32
      %sign3A_182 = arith.constant 0 : i32
      %sign3A_183 = arith.cmpi sgt, %add3A_179, %sign3A_182 : i32
      %sign3A_184 = arith.extui %sign3A_183 : i1 to i32
      %sign3A_185 = arith.constant 0 : i32
      %sign3A_186 = arith.cmpi slt, %add3A_179, %sign3A_185 : i32
      %sign3A_187 = arith.extui %sign3A_186 : i1 to i32
      %sign3A_188 = arith.subi %sign3A_184, %sign3A_187 : i32
      %sign3A_189 = arith.constant 0 : i32
      %sign3A_190 = arith.cmpi sgt, %jit3A_180, %sign3A_189 : i32
      %sign3A_191 = arith.extui %sign3A_190 : i1 to i32
      %sign3A_192 = arith.constant 0 : i32
      %sign3A_193 = arith.cmpi slt, %jit3A_180, %sign3A_192 : i32
      %sign3A_194 = arith.extui %sign3A_193 : i1 to i32
      %sign3A_195 = arith.subi %sign3A_191, %sign3A_194 : i32
      %ne3A_196 = arith.cmpi ne, %sign3A_188, %sign3A_195 : i32
      %rem3A_197 = arith.remsi %add3A_179, %jit3A_180 : i32
      %ne3A_198 = arith.constant 0 : i32
      %ne3A_199 = arith.cmpi ne, %rem3A_197, %ne3A_198 : i32
      %and3A_200 = arith.andi %ne3A_196, %ne3A_199 : i1
      %sub3A_201 = arith.constant 1 : i32
      %sub3A_202 = arith.subi %div3A_181, %sub3A_201 : i32
      %select_n3A_203 = arith.select %and3A_200, %sub3A_202, %div3A_181 : i32
      %add3A_204 = arith.addi %select_n3A_203, %select_n3A : i32
      %rem3A_205 = arith.constant 65 : i32
      %rem3A_206 = arith.remsi %add3A_204, %rem3A_205 : i32
      %jit3A_207 = arith.constant 8 : i32
      %eq3A = arith.constant 0 : i32
      %eq3A_208 = arith.cmpi eq, %jit3A_207, %eq3A : i32
      %jit3A_209 = arith.constant 1 : i32
      %select_n3A_210 = arith.select %eq3A_208, %jit3A_209, %jit3A_207 : i32
      %rem3A_211 = arith.remsi %add3A_179, %select_n3A_210 : i32
      %ne3A_212 = arith.constant 0 : i32
      %ne3A_213 = arith.cmpi ne, %rem3A_211, %ne3A_212 : i32
      %lt3A = arith.constant 0 : i32
      %lt3A_214 = arith.cmpi slt, %rem3A_211, %lt3A : i32
      %lt3A_215 = arith.constant 0 : i32
      %lt3A_216 = arith.cmpi slt, %select_n3A_210, %lt3A_215 : i32
      %ne3A_217 = arith.xori %lt3A_214, %lt3A_216 : i1
      %and3A_218 = arith.andi %ne3A_217, %ne3A_213 : i1
      %add3A_219 = arith.addi %rem3A_211, %select_n3A_210 : i32
      %select_n3A_220 = arith.select %and3A_218, %add3A_219, %rem3A_211 : i32
      %mul3A_221 = arith.constant 64 : i32
      %mul3A_222 = arith.muli %select_n3A_220, %mul3A_221 : i32
      %add3A_223 = arith.addi %mul3A_2, %mul3A_222 : i32
      %dma_start3A_224 = arith.constant 0 : i32
      %dma_start3A_225 = tpu.memref_slice %arg4[%rem3A_206, %add3A_223, %dma_start3A_224] : memref<65x16384x256xf32, #tpu.memory_space<hbm>> -> memref<1x64x256xf32, #tpu.memory_space<hbm>>
      %dma_start3A_226 = tpu.memref_squeeze %dma_start3A_225 : memref<1x64x256xf32, #tpu.memory_space<hbm>> -> memref<64x256xf32, #tpu.memory_space<hbm>>
      %dma_start3A_227 = arith.constant 0 : i32
      %dma_start3A_228 = tpu.memref_slice %arg4[%rem3A_206, %add3A_223, %dma_start3A_227] : memref<65x16384x256xf32, #tpu.memory_space<hbm>> -> memref<1x64x256xf32, #tpu.memory_space<hbm>>
      %dma_start3A_229 = tpu.memref_squeeze %dma_start3A_228 : memref<1x64x256xf32, #tpu.memory_space<hbm>> -> memref<64x256xf32, #tpu.memory_space<hbm>>
      tpu.enqueue_dma source(%arg6 : memref<64x256xf32, #tpu.memory_space<vmem>>) target(%dma_start3A_229 : memref<64x256xf32, #tpu.memory_space<hbm>>) target_semaphore(%arg16 : memref<!tpu.dma_semaphore, #tpu.memory_space<semaphore_mem>>)
      %dma_wait3A_230 = arith.constant 0 : i32
      %dma_wait3A_231 = tpu.memref_slice %arg5[%dma_wait3A_230] : memref<33280xi32, #tpu.memory_space<vmem>> -> memref<64xi32, #tpu.memory_space<vmem>>
      %dma_wait3A_232 = arith.constant 0 : i32
      %dma_wait3A_233 = arith.constant 0 : i32
      %dma_wait3A_234 = tpu.memref_slice %arg2[%dma_wait3A_232, %dma_wait3A_233] : memref<7800x256xf32, #tpu.memory_space<hbm>> -> memref<7800x256xf32, #tpu.memory_space<hbm>>
      tpu.wait_indirect_dma semaphore(%arg12 : memref<!tpu.dma_semaphore, #tpu.memory_space<semaphore_mem>>) src(%dma_wait3A_234 : memref<7800x256xf32, #tpu.memory_space<hbm>>) dst(%arg7 : memref<64x256xf32, #tpu.memory_space<vmem>>)
      %add3A_235 = arith.constant 1 : i32
      %add3A_236 = arith.addi %mul3A_172, %add3A_235 : i32
      %jit3A_237 = arith.constant 8 : i32
      %div3A_238 = arith.divsi %add3A_236, %jit3A_237 : i32
      %sign3A_239 = arith.constant 0 : i32
      %sign3A_240 = arith.cmpi sgt, %add3A_236, %sign3A_239 : i32
      %sign3A_241 = arith.extui %sign3A_240 : i1 to i32
      %sign3A_242 = arith.constant 0 : i32
      %sign3A_243 = arith.cmpi slt, %add3A_236, %sign3A_242 : i32
      %sign3A_244 = arith.extui %sign3A_243 : i1 to i32
      %sign3A_245 = arith.subi %sign3A_241, %sign3A_244 : i32
      %sign3A_246 = arith.constant 0 : i32
      %sign3A_247 = arith.cmpi sgt, %jit3A_237, %sign3A_246 : i32
      %sign3A_248 = arith.extui %sign3A_247 : i1 to i32
      %sign3A_249 = arith.constant 0 : i32
      %sign3A_250 = arith.cmpi slt, %jit3A_237, %sign3A_249 : i32
      %sign3A_251 = arith.extui %sign3A_250 : i1 to i32
      %sign3A_252 = arith.subi %sign3A_248, %sign3A_251 : i32
      %ne3A_253 = arith.cmpi ne, %sign3A_245, %sign3A_252 : i32
      %rem3A_254 = arith.remsi %add3A_236, %jit3A_237 : i32
      %ne3A_255 = arith.constant 0 : i32
      %ne3A_256 = arith.cmpi ne, %rem3A_254, %ne3A_255 : i32
      %and3A_257 = arith.andi %ne3A_253, %ne3A_256 : i1
      %sub3A_258 = arith.constant 1 : i32
      %sub3A_259 = arith.subi %div3A_238, %sub3A_258 : i32
      %select_n3A_260 = arith.select %and3A_257, %sub3A_259, %div3A_238 : i32
      %add3A_261 = arith.addi %select_n3A_260, %select_n3A : i32
      %rem3A_262 = arith.constant 65 : i32
      %rem3A_263 = arith.remsi %add3A_261, %rem3A_262 : i32
      %jit3A_264 = arith.constant 8 : i32
      %eq3A_265 = arith.constant 0 : i32
      %eq3A_266 = arith.cmpi eq, %jit3A_264, %eq3A_265 : i32
      %jit3A_267 = arith.constant 1 : i32
      %select_n3A_268 = arith.select %eq3A_266, %jit3A_267, %jit3A_264 : i32
      %rem3A_269 = arith.remsi %add3A_236, %select_n3A_268 : i32
      %ne3A_270 = arith.constant 0 : i32
      %ne3A_271 = arith.cmpi ne, %rem3A_269, %ne3A_270 : i32
      %lt3A_272 = arith.constant 0 : i32
      %lt3A_273 = arith.cmpi slt, %rem3A_269, %lt3A_272 : i32
      %lt3A_274 = arith.constant 0 : i32
      %lt3A_275 = arith.cmpi slt, %select_n3A_268, %lt3A_274 : i32
      %ne3A_276 = arith.xori %lt3A_273, %lt3A_275 : i1
      %and3A_277 = arith.andi %ne3A_276, %ne3A_271 : i1
      %add3A_278 = arith.addi %rem3A_269, %select_n3A_268 : i32
      %select_n3A_279 = arith.select %and3A_277, %add3A_278, %rem3A_269 : i32
      %mul3A_280 = arith.constant 64 : i32
      %mul3A_281 = arith.muli %select_n3A_279, %mul3A_280 : i32
      %add3A_282 = arith.addi %mul3A_2, %mul3A_281 : i32
      %dma_start3A_283 = arith.constant 0 : i32
      %dma_start3A_284 = tpu.memref_slice %arg4[%rem3A_263, %add3A_282, %dma_start3A_283] : memref<65x16384x256xf32, #tpu.memory_space<hbm>> -> memref<1x64x256xf32, #tpu.memory_space<hbm>>
      %dma_start3A_285 = tpu.memref_squeeze %dma_start3A_284 : memref<1x64x256xf32, #tpu.memory_space<hbm>> -> memref<64x256xf32, #tpu.memory_space<hbm>>
      %dma_start3A_286 = arith.constant 0 : i32
      %dma_start3A_287 = tpu.memref_slice %arg4[%rem3A_263, %add3A_282, %dma_start3A_286] : memref<65x16384x256xf32, #tpu.memory_space<hbm>> -> memref<1x64x256xf32, #tpu.memory_space<hbm>>
      %dma_start3A_288 = tpu.memref_squeeze %dma_start3A_287 : memref<1x64x256xf32, #tpu.memory_space<hbm>> -> memref<64x256xf32, #tpu.memory_space<hbm>>
      tpu.enqueue_dma source(%arg7 : memref<64x256xf32, #tpu.memory_space<vmem>>) target(%dma_start3A_288 : memref<64x256xf32, #tpu.memory_space<hbm>>) target_semaphore(%arg17 : memref<!tpu.dma_semaphore, #tpu.memory_space<semaphore_mem>>)
      %dma_wait3A_289 = arith.constant 0 : i32
      %dma_wait3A_290 = tpu.memref_slice %arg5[%dma_wait3A_289] : memref<33280xi32, #tpu.memory_space<vmem>> -> memref<64xi32, #tpu.memory_space<vmem>>
      %dma_wait3A_291 = arith.constant 0 : i32
      %dma_wait3A_292 = arith.constant 0 : i32
      %dma_wait3A_293 = tpu.memref_slice %arg2[%dma_wait3A_291, %dma_wait3A_292] : memref<7800x256xf32, #tpu.memory_space<hbm>> -> memref<7800x256xf32, #tpu.memory_space<hbm>>
      tpu.wait_indirect_dma semaphore(%arg13 : memref<!tpu.dma_semaphore, #tpu.memory_space<semaphore_mem>>) src(%dma_wait3A_293 : memref<7800x256xf32, #tpu.memory_space<hbm>>) dst(%arg8 : memref<64x256xf32, #tpu.memory_space<vmem>>)
      %add3A_294 = arith.constant 2 : i32
      %add3A_295 = arith.addi %mul3A_172, %add3A_294 : i32
      %jit3A_296 = arith.constant 8 : i32
      %div3A_297 = arith.divsi %add3A_295, %jit3A_296 : i32
      %sign3A_298 = arith.constant 0 : i32
      %sign3A_299 = arith.cmpi sgt, %add3A_295, %sign3A_298 : i32
      %sign3A_300 = arith.extui %sign3A_299 : i1 to i32
      %sign3A_301 = arith.constant 0 : i32
      %sign3A_302 = arith.cmpi slt, %add3A_295, %sign3A_301 : i32
      %sign3A_303 = arith.extui %sign3A_302 : i1 to i32
      %sign3A_304 = arith.subi %sign3A_300, %sign3A_303 : i32
      %sign3A_305 = arith.constant 0 : i32
      %sign3A_306 = arith.cmpi sgt, %jit3A_296, %sign3A_305 : i32
      %sign3A_307 = arith.extui %sign3A_306 : i1 to i32
      %sign3A_308 = arith.constant 0 : i32
      %sign3A_309 = arith.cmpi slt, %jit3A_296, %sign3A_308 : i32
      %sign3A_310 = arith.extui %sign3A_309 : i1 to i32
      %sign3A_311 = arith.subi %sign3A_307, %sign3A_310 : i32
      %ne3A_312 = arith.cmpi ne, %sign3A_304, %sign3A_311 : i32
      %rem3A_313 = arith.remsi %add3A_295, %jit3A_296 : i32
      %ne3A_314 = arith.constant 0 : i32
      %ne3A_315 = arith.cmpi ne, %rem3A_313, %ne3A_314 : i32
      %and3A_316 = arith.andi %ne3A_312, %ne3A_315 : i1
      %sub3A_317 = arith.constant 1 : i32
      %sub3A_318 = arith.subi %div3A_297, %sub3A_317 : i32
      %select_n3A_319 = arith.select %and3A_316, %sub3A_318, %div3A_297 : i32
      %add3A_320 = arith.addi %select_n3A_319, %select_n3A : i32
      %rem3A_321 = arith.constant 65 : i32
      %rem3A_322 = arith.remsi %add3A_320, %rem3A_321 : i32
      %jit3A_323 = arith.constant 8 : i32
      %eq3A_324 = arith.constant 0 : i32
      %eq3A_325 = arith.cmpi eq, %jit3A_323, %eq3A_324 : i32
      %jit3A_326 = arith.constant 1 : i32
      %select_n3A_327 = arith.select %eq3A_325, %jit3A_326, %jit3A_323 : i32
      %rem3A_328 = arith.remsi %add3A_295, %select_n3A_327 : i32
      %ne3A_329 = arith.constant 0 : i32
      %ne3A_330 = arith.cmpi ne, %rem3A_328, %ne3A_329 : i32
      %lt3A_331 = arith.constant 0 : i32
      %lt3A_332 = arith.cmpi slt, %rem3A_328, %lt3A_331 : i32
      %lt3A_333 = arith.constant 0 : i32
      %lt3A_334 = arith.cmpi slt, %select_n3A_327, %lt3A_333 : i32
      %ne3A_335 = arith.xori %lt3A_332, %lt3A_334 : i1
      %and3A_336 = arith.andi %ne3A_335, %ne3A_330 : i1
      %add3A_337 = arith.addi %rem3A_328, %select_n3A_327 : i32
      %select_n3A_338 = arith.select %and3A_336, %add3A_337, %rem3A_328 : i32
      %mul3A_339 = arith.constant 64 : i32
      %mul3A_340 = arith.muli %select_n3A_338, %mul3A_339 : i32
      %add3A_341 = arith.addi %mul3A_2, %mul3A_340 : i32
      %dma_start3A_342 = arith.constant 0 : i32
      %dma_start3A_343 = tpu.memref_slice %arg4[%rem3A_322, %add3A_341, %dma_start3A_342] : memref<65x16384x256xf32, #tpu.memory_space<hbm>> -> memref<1x64x256xf32, #tpu.memory_space<hbm>>
      %dma_start3A_344 = tpu.memref_squeeze %dma_start3A_343 : memref<1x64x256xf32, #tpu.memory_space<hbm>> -> memref<64x256xf32, #tpu.memory_space<hbm>>
      %dma_start3A_345 = arith.constant 0 : i32
      %dma_start3A_346 = tpu.memref_slice %arg4[%rem3A_322, %add3A_341, %dma_start3A_345] : memref<65x16384x256xf32, #tpu.memory_space<hbm>> -> memref<1x64x256xf32, #tpu.memory_space<hbm>>
      %dma_start3A_347 = tpu.memref_squeeze %dma_start3A_346 : memref<1x64x256xf32, #tpu.memory_space<hbm>> -> memref<64x256xf32, #tpu.memory_space<hbm>>
      tpu.enqueue_dma source(%arg8 : memref<64x256xf32, #tpu.memory_space<vmem>>) target(%dma_start3A_347 : memref<64x256xf32, #tpu.memory_space<hbm>>) target_semaphore(%arg18 : memref<!tpu.dma_semaphore, #tpu.memory_space<semaphore_mem>>)
      %dma_wait3A_348 = arith.constant 0 : i32
      %dma_wait3A_349 = tpu.memref_slice %arg5[%dma_wait3A_348] : memref<33280xi32, #tpu.memory_space<vmem>> -> memref<64xi32, #tpu.memory_space<vmem>>
      %dma_wait3A_350 = arith.constant 0 : i32
      %dma_wait3A_351 = arith.constant 0 : i32
      %dma_wait3A_352 = tpu.memref_slice %arg2[%dma_wait3A_350, %dma_wait3A_351] : memref<7800x256xf32, #tpu.memory_space<hbm>> -> memref<7800x256xf32, #tpu.memory_space<hbm>>
      tpu.wait_indirect_dma semaphore(%arg14 : memref<!tpu.dma_semaphore, #tpu.memory_space<semaphore_mem>>) src(%dma_wait3A_352 : memref<7800x256xf32, #tpu.memory_space<hbm>>) dst(%arg9 : memref<64x256xf32, #tpu.memory_space<vmem>>)
      %add3A_353 = arith.constant 3 : i32
      %add3A_354 = arith.addi %mul3A_172, %add3A_353 : i32
      %jit3A_355 = arith.constant 8 : i32
      %div3A_356 = arith.divsi %add3A_354, %jit3A_355 : i32
      %sign3A_357 = arith.constant 0 : i32
      %sign3A_358 = arith.cmpi sgt, %add3A_354, %sign3A_357 : i32
      %sign3A_359 = arith.extui %sign3A_358 : i1 to i32
      %sign3A_360 = arith.constant 0 : i32
      %sign3A_361 = arith.cmpi slt, %add3A_354, %sign3A_360 : i32
      %sign3A_362 = arith.extui %sign3A_361 : i1 to i32
      %sign3A_363 = arith.subi %sign3A_359, %sign3A_362 : i32
      %sign3A_364 = arith.constant 0 : i32
      %sign3A_365 = arith.cmpi sgt, %jit3A_355, %sign3A_364 : i32
      %sign3A_366 = arith.extui %sign3A_365 : i1 to i32
      %sign3A_367 = arith.constant 0 : i32
      %sign3A_368 = arith.cmpi slt, %jit3A_355, %sign3A_367 : i32
      %sign3A_369 = arith.extui %sign3A_368 : i1 to i32
      %sign3A_370 = arith.subi %sign3A_366, %sign3A_369 : i32
      %ne3A_371 = arith.cmpi ne, %sign3A_363, %sign3A_370 : i32
      %rem3A_372 = arith.remsi %add3A_354, %jit3A_355 : i32
      %ne3A_373 = arith.constant 0 : i32
      %ne3A_374 = arith.cmpi ne, %rem3A_372, %ne3A_373 : i32
      %and3A_375 = arith.andi %ne3A_371, %ne3A_374 : i1
      %sub3A_376 = arith.constant 1 : i32
      %sub3A_377 = arith.subi %div3A_356, %sub3A_376 : i32
      %select_n3A_378 = arith.select %and3A_375, %sub3A_377, %div3A_356 : i32
      %add3A_379 = arith.addi %select_n3A_378, %select_n3A : i32
      %rem3A_380 = arith.constant 65 : i32
      %rem3A_381 = arith.remsi %add3A_379, %rem3A_380 : i32
      %jit3A_382 = arith.constant 8 : i32
      %eq3A_383 = arith.constant 0 : i32
      %eq3A_384 = arith.cmpi eq, %jit3A_382, %eq3A_383 : i32
      %jit3A_385 = arith.constant 1 : i32
      %select_n3A_386 = arith.select %eq3A_384, %jit3A_385, %jit3A_382 : i32
      %rem3A_387 = arith.remsi %add3A_354, %select_n3A_386 : i32
      %ne3A_388 = arith.constant 0 : i32
      %ne3A_389 = arith.cmpi ne, %rem3A_387, %ne3A_388 : i32
      %lt3A_390 = arith.constant 0 : i32
      %lt3A_391 = arith.cmpi slt, %rem3A_387, %lt3A_390 : i32
      %lt3A_392 = arith.constant 0 : i32
      %lt3A_393 = arith.cmpi slt, %select_n3A_386, %lt3A_392 : i32
      %ne3A_394 = arith.xori %lt3A_391, %lt3A_393 : i1
      %and3A_395 = arith.andi %ne3A_394, %ne3A_389 : i1
      %add3A_396 = arith.addi %rem3A_387, %select_n3A_386 : i32
      %select_n3A_397 = arith.select %and3A_395, %add3A_396, %rem3A_387 : i32
      %mul3A_398 = arith.constant 64 : i32
      %mul3A_399 = arith.muli %select_n3A_397, %mul3A_398 : i32
      %add3A_400 = arith.addi %mul3A_2, %mul3A_399 : i32
      %dma_start3A_401 = arith.constant 0 : i32
      %dma_start3A_402 = tpu.memref_slice %arg4[%rem3A_381, %add3A_400, %dma_start3A_401] : memref<65x16384x256xf32, #tpu.memory_space<hbm>> -> memref<1x64x256xf32, #tpu.memory_space<hbm>>
      %dma_start3A_403 = tpu.memref_squeeze %dma_start3A_402 : memref<1x64x256xf32, #tpu.memory_space<hbm>> -> memref<64x256xf32, #tpu.memory_space<hbm>>
      %dma_start3A_404 = arith.constant 0 : i32
      %dma_start3A_405 = tpu.memref_slice %arg4[%rem3A_381, %add3A_400, %dma_start3A_404] : memref<65x16384x256xf32, #tpu.memory_space<hbm>> -> memref<1x64x256xf32, #tpu.memory_space<hbm>>
      %dma_start3A_406 = tpu.memref_squeeze %dma_start3A_405 : memref<1x64x256xf32, #tpu.memory_space<hbm>> -> memref<64x256xf32, #tpu.memory_space<hbm>>
      tpu.enqueue_dma source(%arg9 : memref<64x256xf32, #tpu.memory_space<vmem>>) target(%dma_start3A_406 : memref<64x256xf32, #tpu.memory_space<hbm>>) target_semaphore(%arg19 : memref<!tpu.dma_semaphore, #tpu.memory_space<semaphore_mem>>)
      %dma_wait3A_407 = arith.constant 0 : i32
      %dma_wait3A_408 = tpu.memref_slice %arg5[%dma_wait3A_407] : memref<33280xi32, #tpu.memory_space<vmem>> -> memref<64xi32, #tpu.memory_space<vmem>>
      %dma_wait3A_409 = arith.constant 0 : i32
      %dma_wait3A_410 = arith.constant 0 : i32
      %dma_wait3A_411 = tpu.memref_slice %arg2[%dma_wait3A_409, %dma_wait3A_410] : memref<7800x256xf32, #tpu.memory_space<hbm>> -> memref<7800x256xf32, #tpu.memory_space<hbm>>
      tpu.wait_indirect_dma semaphore(%arg15 : memref<!tpu.dma_semaphore, #tpu.memory_space<semaphore_mem>>) src(%dma_wait3A_411 : memref<7800x256xf32, #tpu.memory_space<hbm>>) dst(%arg10 : memref<64x256xf32, #tpu.memory_space<vmem>>)
      %add3A_412 = arith.constant 4 : i32
      %add3A_413 = arith.addi %mul3A_172, %add3A_412 : i32
      %jit3A_414 = arith.constant 8 : i32
      %div3A_415 = arith.divsi %add3A_413, %jit3A_414 : i32
      %sign3A_416 = arith.constant 0 : i32
      %sign3A_417 = arith.cmpi sgt, %add3A_413, %sign3A_416 : i32
      %sign3A_418 = arith.extui %sign3A_417 : i1 to i32
      %sign3A_419 = arith.constant 0 : i32
      %sign3A_420 = arith.cmpi slt, %add3A_413, %sign3A_419 : i32
      %sign3A_421 = arith.extui %sign3A_420 : i1 to i32
      %sign3A_422 = arith.subi %sign3A_418, %sign3A_421 : i32
      %sign3A_423 = arith.constant 0 : i32
      %sign3A_424 = arith.cmpi sgt, %jit3A_414, %sign3A_423 : i32
      %sign3A_425 = arith.extui %sign3A_424 : i1 to i32
      %sign3A_426 = arith.constant 0 : i32
      %sign3A_427 = arith.cmpi slt, %jit3A_414, %sign3A_426 : i32
      %sign3A_428 = arith.extui %sign3A_427 : i1 to i32
      %sign3A_429 = arith.subi %sign3A_425, %sign3A_428 : i32
      %ne3A_430 = arith.cmpi ne, %sign3A_422, %sign3A_429 : i32
      %rem3A_431 = arith.remsi %add3A_413, %jit3A_414 : i32
      %ne3A_432 = arith.constant 0 : i32
      %ne3A_433 = arith.cmpi ne, %rem3A_431, %ne3A_432 : i32
      %and3A_434 = arith.andi %ne3A_430, %ne3A_433 : i1
      %sub3A_435 = arith.constant 1 : i32
      %sub3A_436 = arith.subi %div3A_415, %sub3A_435 : i32
      %select_n3A_437 = arith.select %and3A_434, %sub3A_436, %div3A_415 : i32
      %add3A_438 = arith.addi %select_n3A_437, %select_n3A : i32
      %rem3A_439 = arith.constant 65 : i32
      %rem3A_440 = arith.remsi %add3A_438, %rem3A_439 : i32
      %jit3A_441 = arith.constant 8 : i32
      %eq3A_442 = arith.constant 0 : i32
      %eq3A_443 = arith.cmpi eq, %jit3A_441, %eq3A_442 : i32
      %jit3A_444 = arith.constant 1 : i32
      %select_n3A_445 = arith.select %eq3A_443, %jit3A_444, %jit3A_441 : i32
      %rem3A_446 = arith.remsi %add3A_413, %select_n3A_445 : i32
      %ne3A_447 = arith.constant 0 : i32
      %ne3A_448 = arith.cmpi ne, %rem3A_446, %ne3A_447 : i32
      %lt3A_449 = arith.constant 0 : i32
      %lt3A_450 = arith.cmpi slt, %rem3A_446, %lt3A_449 : i32
      %lt3A_451 = arith.constant 0 : i32
      %lt3A_452 = arith.cmpi slt, %select_n3A_445, %lt3A_451 : i32
      %ne3A_453 = arith.xori %lt3A_450, %lt3A_452 : i1
      %and3A_454 = arith.andi %ne3A_453, %ne3A_448 : i1
      %add3A_455 = arith.addi %rem3A_446, %select_n3A_445 : i32
      %select_n3A_456 = arith.select %and3A_454, %add3A_455, %rem3A_446 : i32
      %mul3A_457 = arith.constant 64 : i32
      %mul3A_458 = arith.muli %select_n3A_456, %mul3A_457 : i32
      %add3A_459 = arith.addi %mul3A_2, %mul3A_458 : i32
      %dma_start3A_460 = arith.constant 0 : i32
      %dma_start3A_461 = tpu.memref_slice %arg4[%rem3A_440, %add3A_459, %dma_start3A_460] : memref<65x16384x256xf32, #tpu.memory_space<hbm>> -> memref<1x64x256xf32, #tpu.memory_space<hbm>>
      %dma_start3A_462 = tpu.memref_squeeze %dma_start3A_461 : memref<1x64x256xf32, #tpu.memory_space<hbm>> -> memref<64x256xf32, #tpu.memory_space<hbm>>
      %dma_start3A_463 = arith.constant 0 : i32
      %dma_start3A_464 = tpu.memref_slice %arg4[%rem3A_440, %add3A_459, %dma_start3A_463] : memref<65x16384x256xf32, #tpu.memory_space<hbm>> -> memref<1x64x256xf32, #tpu.memory_space<hbm>>
      %dma_start3A_465 = tpu.memref_squeeze %dma_start3A_464 : memref<1x64x256xf32, #tpu.memory_space<hbm>> -> memref<64x256xf32, #tpu.memory_space<hbm>>
      tpu.enqueue_dma source(%arg10 : memref<64x256xf32, #tpu.memory_space<vmem>>) target(%dma_start3A_465 : memref<64x256xf32, #tpu.memory_space<hbm>>) target_semaphore(%arg20 : memref<!tpu.dma_semaphore, #tpu.memory_space<semaphore_mem>>)
      %dma_wait3A_466 = arith.constant 0 : i32
      %dma_wait3A_467 = arith.constant 0 : i32
      %dma_wait3A_468 = tpu.memref_slice %arg4[%dma_wait3A_466, %mul3A_2, %dma_wait3A_467] : memref<65x16384x256xf32, #tpu.memory_space<hbm>> -> memref<1x64x256xf32, #tpu.memory_space<hbm>>
      %dma_wait3A_469 = tpu.memref_squeeze %dma_wait3A_468 : memref<1x64x256xf32, #tpu.memory_space<hbm>> -> memref<64x256xf32, #tpu.memory_space<hbm>>
      %dma_wait3A_470 = arith.constant 0 : i32
      %dma_wait3A_471 = tpu.memref_slice %arg4[%dma_wait3A_466, %mul3A_2, %dma_wait3A_470] : memref<65x16384x256xf32, #tpu.memory_space<hbm>> -> memref<1x64x256xf32, #tpu.memory_space<hbm>>
      %dma_wait3A_472 = tpu.memref_squeeze %dma_wait3A_471 : memref<1x64x256xf32, #tpu.memory_space<hbm>> -> memref<64x256xf32, #tpu.memory_space<hbm>>
      tpu.wait_dma2 semaphore(%arg16 : memref<!tpu.dma_semaphore, #tpu.memory_space<semaphore_mem>>) src(%arg6 : memref<64x256xf32, #tpu.memory_space<vmem>>) dst(%dma_wait3A_472 : memref<64x256xf32, #tpu.memory_space<hbm>>)
      %add3A_473 = arith.constant 5 : i32
      %add3A_474 = arith.addi %mul3A_172, %add3A_473 : i32
      %add3A_475 = arith.constant 0 : i32
      %add3A_476 = arith.addi %add3A_474, %add3A_475 : i32
      %mul3A_477 = arith.constant 64 : i32
      %mul3A_478 = arith.muli %add3A_476, %mul3A_477 : i32
      %dma_start3A_479 = tpu.memref_slice %arg5[%mul3A_478] : memref<33280xi32, #tpu.memory_space<vmem>> -> memref<64xi32, #tpu.memory_space<vmem>>
      %dma_start3A_480 = arith.constant 0 : i32
      %dma_start3A_481 = arith.constant 0 : i32
      %dma_start3A_482 = tpu.memref_slice %arg2[%dma_start3A_480, %dma_start3A_481] : memref<7800x256xf32, #tpu.memory_space<hbm>> -> memref<7800x256xf32, #tpu.memory_space<hbm>>
      tpu.enqueue_indirect_dma source(%dma_start3A_482 : memref<7800x256xf32, #tpu.memory_space<hbm>>) target(%arg6 : memref<64x256xf32, #tpu.memory_space<vmem>>) offsets(%dma_start3A_479 : memref<64xi32, #tpu.memory_space<vmem>>) semaphore(%arg11 : memref<!tpu.dma_semaphore, #tpu.memory_space<semaphore_mem>>)
      %dma_wait3A_483 = arith.constant 0 : i32
      %dma_wait3A_484 = arith.constant 0 : i32
      %dma_wait3A_485 = tpu.memref_slice %arg4[%dma_wait3A_483, %mul3A_2, %dma_wait3A_484] : memref<65x16384x256xf32, #tpu.memory_space<hbm>> -> memref<1x64x256xf32, #tpu.memory_space<hbm>>
      %dma_wait3A_486 = tpu.memref_squeeze %dma_wait3A_485 : memref<1x64x256xf32, #tpu.memory_space<hbm>> -> memref<64x256xf32, #tpu.memory_space<hbm>>
      %dma_wait3A_487 = arith.constant 0 : i32
      %dma_wait3A_488 = tpu.memref_slice %arg4[%dma_wait3A_483, %mul3A_2, %dma_wait3A_487] : memref<65x16384x256xf32, #tpu.memory_space<hbm>> -> memref<1x64x256xf32, #tpu.memory_space<hbm>>
      %dma_wait3A_489 = tpu.memref_squeeze %dma_wait3A_488 : memref<1x64x256xf32, #tpu.memory_space<hbm>> -> memref<64x256xf32, #tpu.memory_space<hbm>>
      tpu.wait_dma2 semaphore(%arg17 : memref<!tpu.dma_semaphore, #tpu.memory_space<semaphore_mem>>) src(%arg7 : memref<64x256xf32, #tpu.memory_space<vmem>>) dst(%dma_wait3A_489 : memref<64x256xf32, #tpu.memory_space<hbm>>)
      %add3A_490 = arith.constant 5 : i32
      %add3A_491 = arith.addi %mul3A_172, %add3A_490 : i32
      %add3A_492 = arith.constant 1 : i32
      %add3A_493 = arith.addi %add3A_491, %add3A_492 : i32
      %mul3A_494 = arith.constant 64 : i32
      %mul3A_495 = arith.muli %add3A_493, %mul3A_494 : i32
      %dma_start3A_496 = tpu.memref_slice %arg5[%mul3A_495] : memref<33280xi32, #tpu.memory_space<vmem>> -> memref<64xi32, #tpu.memory_space<vmem>>
      %dma_start3A_497 = arith.constant 0 : i32
      %dma_start3A_498 = arith.constant 0 : i32
      %dma_start3A_499 = tpu.memref_slice %arg2[%dma_start3A_497, %dma_start3A_498] : memref<7800x256xf32, #tpu.memory_space<hbm>> -> memref<7800x256xf32, #tpu.memory_space<hbm>>
      tpu.enqueue_indirect_dma source(%dma_start3A_499 : memref<7800x256xf32, #tpu.memory_space<hbm>>) target(%arg7 : memref<64x256xf32, #tpu.memory_space<vmem>>) offsets(%dma_start3A_496 : memref<64xi32, #tpu.memory_space<vmem>>) semaphore(%arg12 : memref<!tpu.dma_semaphore, #tpu.memory_space<semaphore_mem>>)
      %dma_wait3A_500 = arith.constant 0 : i32
      %dma_wait3A_501 = arith.constant 0 : i32
      %dma_wait3A_502 = tpu.memref_slice %arg4[%dma_wait3A_500, %mul3A_2, %dma_wait3A_501] : memref<65x16384x256xf32, #tpu.memory_space<hbm>> -> memref<1x64x256xf32, #tpu.memory_space<hbm>>
      %dma_wait3A_503 = tpu.memref_squeeze %dma_wait3A_502 : memref<1x64x256xf32, #tpu.memory_space<hbm>> -> memref<64x256xf32, #tpu.memory_space<hbm>>
      %dma_wait3A_504 = arith.constant 0 : i32
      %dma_wait3A_505 = tpu.memref_slice %arg4[%dma_wait3A_500, %mul3A_2, %dma_wait3A_504] : memref<65x16384x256xf32, #tpu.memory_space<hbm>> -> memref<1x64x256xf32, #tpu.memory_space<hbm>>
      %dma_wait3A_506 = tpu.memref_squeeze %dma_wait3A_505 : memref<1x64x256xf32, #tpu.memory_space<hbm>> -> memref<64x256xf32, #tpu.memory_space<hbm>>
      tpu.wait_dma2 semaphore(%arg18 : memref<!tpu.dma_semaphore, #tpu.memory_space<semaphore_mem>>) src(%arg8 : memref<64x256xf32, #tpu.memory_space<vmem>>) dst(%dma_wait3A_506 : memref<64x256xf32, #tpu.memory_space<hbm>>)
      %add3A_507 = arith.constant 5 : i32
      %add3A_508 = arith.addi %mul3A_172, %add3A_507 : i32
      %add3A_509 = arith.constant 2 : i32
      %add3A_510 = arith.addi %add3A_508, %add3A_509 : i32
      %mul3A_511 = arith.constant 64 : i32
      %mul3A_512 = arith.muli %add3A_510, %mul3A_511 : i32
      %dma_start3A_513 = tpu.memref_slice %arg5[%mul3A_512] : memref<33280xi32, #tpu.memory_space<vmem>> -> memref<64xi32, #tpu.memory_space<vmem>>
      %dma_start3A_514 = arith.constant 0 : i32
      %dma_start3A_515 = arith.constant 0 : i32
      %dma_start3A_516 = tpu.memref_slice %arg2[%dma_start3A_514, %dma_start3A_515] : memref<7800x256xf32, #tpu.memory_space<hbm>> -> memref<7800x256xf32, #tpu.memory_space<hbm>>
      tpu.enqueue_indirect_dma source(%dma_start3A_516 : memref<7800x256xf32, #tpu.memory_space<hbm>>) target(%arg8 : memref<64x256xf32, #tpu.memory_space<vmem>>) offsets(%dma_start3A_513 : memref<64xi32, #tpu.memory_space<vmem>>) semaphore(%arg13 : memref<!tpu.dma_semaphore, #tpu.memory_space<semaphore_mem>>)
      %dma_wait3A_517 = arith.constant 0 : i32
      %dma_wait3A_518 = arith.constant 0 : i32
      %dma_wait3A_519 = tpu.memref_slice %arg4[%dma_wait3A_517, %mul3A_2, %dma_wait3A_518] : memref<65x16384x256xf32, #tpu.memory_space<hbm>> -> memref<1x64x256xf32, #tpu.memory_space<hbm>>
      %dma_wait3A_520 = tpu.memref_squeeze %dma_wait3A_519 : memref<1x64x256xf32, #tpu.memory_space<hbm>> -> memref<64x256xf32, #tpu.memory_space<hbm>>
      %dma_wait3A_521 = arith.constant 0 : i32
      %dma_wait3A_522 = tpu.memref_slice %arg4[%dma_wait3A_517, %mul3A_2, %dma_wait3A_521] : memref<65x16384x256xf32, #tpu.memory_space<hbm>> -> memref<1x64x256xf32, #tpu.memory_space<hbm>>
      %dma_wait3A_523 = tpu.memref_squeeze %dma_wait3A_522 : memref<1x64x256xf32, #tpu.memory_space<hbm>> -> memref<64x256xf32, #tpu.memory_space<hbm>>
      tpu.wait_dma2 semaphore(%arg19 : memref<!tpu.dma_semaphore, #tpu.memory_space<semaphore_mem>>) src(%arg9 : memref<64x256xf32, #tpu.memory_space<vmem>>) dst(%dma_wait3A_523 : memref<64x256xf32, #tpu.memory_space<hbm>>)
      %add3A_524 = arith.constant 5 : i32
      %add3A_525 = arith.addi %mul3A_172, %add3A_524 : i32
      %add3A_526 = arith.constant 3 : i32
      %add3A_527 = arith.addi %add3A_525, %add3A_526 : i32
      %mul3A_528 = arith.constant 64 : i32
      %mul3A_529 = arith.muli %add3A_527, %mul3A_528 : i32
      %dma_start3A_530 = tpu.memref_slice %arg5[%mul3A_529] : memref<33280xi32, #tpu.memory_space<vmem>> -> memref<64xi32, #tpu.memory_space<vmem>>
      %dma_start3A_531 = arith.constant 0 : i32
      %dma_start3A_532 = arith.constant 0 : i32
      %dma_start3A_533 = tpu.memref_slice %arg2[%dma_start3A_531, %dma_start3A_532] : memref<7800x256xf32, #tpu.memory_space<hbm>> -> memref<7800x256xf32, #tpu.memory_space<hbm>>
      tpu.enqueue_indirect_dma source(%dma_start3A_533 : memref<7800x256xf32, #tpu.memory_space<hbm>>) target(%arg9 : memref<64x256xf32, #tpu.memory_space<vmem>>) offsets(%dma_start3A_530 : memref<64xi32, #tpu.memory_space<vmem>>) semaphore(%arg14 : memref<!tpu.dma_semaphore, #tpu.memory_space<semaphore_mem>>)
      %dma_wait3A_534 = arith.constant 0 : i32
      %dma_wait3A_535 = arith.constant 0 : i32
      %dma_wait3A_536 = tpu.memref_slice %arg4[%dma_wait3A_534, %mul3A_2, %dma_wait3A_535] : memref<65x16384x256xf32, #tpu.memory_space<hbm>> -> memref<1x64x256xf32, #tpu.memory_space<hbm>>
      %dma_wait3A_537 = tpu.memref_squeeze %dma_wait3A_536 : memref<1x64x256xf32, #tpu.memory_space<hbm>> -> memref<64x256xf32, #tpu.memory_space<hbm>>
      %dma_wait3A_538 = arith.constant 0 : i32
      %dma_wait3A_539 = tpu.memref_slice %arg4[%dma_wait3A_534, %mul3A_2, %dma_wait3A_538] : memref<65x16384x256xf32, #tpu.memory_space<hbm>> -> memref<1x64x256xf32, #tpu.memory_space<hbm>>
      %dma_wait3A_540 = tpu.memref_squeeze %dma_wait3A_539 : memref<1x64x256xf32, #tpu.memory_space<hbm>> -> memref<64x256xf32, #tpu.memory_space<hbm>>
      tpu.wait_dma2 semaphore(%arg20 : memref<!tpu.dma_semaphore, #tpu.memory_space<semaphore_mem>>) src(%arg10 : memref<64x256xf32, #tpu.memory_space<vmem>>) dst(%dma_wait3A_540 : memref<64x256xf32, #tpu.memory_space<hbm>>)
      %add3A_541 = arith.constant 5 : i32
      %add3A_542 = arith.addi %mul3A_172, %add3A_541 : i32
      %add3A_543 = arith.constant 4 : i32
      %add3A_544 = arith.addi %add3A_542, %add3A_543 : i32
      %mul3A_545 = arith.constant 64 : i32
      %mul3A_546 = arith.muli %add3A_544, %mul3A_545 : i32
      %dma_start3A_547 = tpu.memref_slice %arg5[%mul3A_546] : memref<33280xi32, #tpu.memory_space<vmem>> -> memref<64xi32, #tpu.memory_space<vmem>>
      %dma_start3A_548 = arith.constant 0 : i32
      %dma_start3A_549 = arith.constant 0 : i32
      %dma_start3A_550 = tpu.memref_slice %arg2[%dma_start3A_548, %dma_start3A_549] : memref<7800x256xf32, #tpu.memory_space<hbm>> -> memref<7800x256xf32, #tpu.memory_space<hbm>>
      tpu.enqueue_indirect_dma source(%dma_start3A_550 : memref<7800x256xf32, #tpu.memory_space<hbm>>) target(%arg10 : memref<64x256xf32, #tpu.memory_space<vmem>>) offsets(%dma_start3A_547 : memref<64xi32, #tpu.memory_space<vmem>>) semaphore(%arg15 : memref<!tpu.dma_semaphore, #tpu.memory_space<semaphore_mem>>)
    }
    %scan3A_50 = arith.constant 103 : i32
    %dma_wait3A = arith.constant 0 : i32
    %dma_wait3A_51 = tpu.memref_slice %arg5[%dma_wait3A] : memref<33280xi32, #tpu.memory_space<vmem>> -> memref<64xi32, #tpu.memory_space<vmem>>
    %dma_wait3A_52 = arith.constant 0 : i32
    %dma_wait3A_53 = arith.constant 0 : i32
    %dma_wait3A_54 = tpu.memref_slice %arg2[%dma_wait3A_52, %dma_wait3A_53] : memref<7800x256xf32, #tpu.memory_space<hbm>> -> memref<7800x256xf32, #tpu.memory_space<hbm>>
    tpu.wait_indirect_dma semaphore(%arg11 : memref<!tpu.dma_semaphore, #tpu.memory_space<semaphore_mem>>) src(%dma_wait3A_54 : memref<7800x256xf32, #tpu.memory_space<hbm>>) dst(%arg6 : memref<64x256xf32, #tpu.memory_space<vmem>>)
    %add3A_55 = arith.constant 64 : i32
    %add3A_56 = arith.addi %add3A_55, %select_n3A : i32
    %rem3A_57 = arith.constant 65 : i32
    %rem3A_58 = arith.remsi %add3A_56, %rem3A_57 : i32
    %add3A_59 = arith.constant 192 : i32
    %add3A_60 = arith.addi %mul3A_2, %add3A_59 : i32
    %dma_start3A_61 = arith.constant 0 : i32
    %dma_start3A_62 = tpu.memref_slice %arg4[%rem3A_58, %add3A_60, %dma_start3A_61] : memref<65x16384x256xf32, #tpu.memory_space<hbm>> -> memref<1x64x256xf32, #tpu.memory_space<hbm>>
    %dma_start3A_63 = tpu.memref_squeeze %dma_start3A_62 : memref<1x64x256xf32, #tpu.memory_space<hbm>> -> memref<64x256xf32, #tpu.memory_space<hbm>>
    %dma_start3A_64 = arith.constant 0 : i32
    %dma_start3A_65 = tpu.memref_slice %arg4[%rem3A_58, %add3A_60, %dma_start3A_64] : memref<65x16384x256xf32, #tpu.memory_space<hbm>> -> memref<1x64x256xf32, #tpu.memory_space<hbm>>
    %dma_start3A_66 = tpu.memref_squeeze %dma_start3A_65 : memref<1x64x256xf32, #tpu.memory_space<hbm>> -> memref<64x256xf32, #tpu.memory_space<hbm>>
    tpu.enqueue_dma source(%arg6 : memref<64x256xf32, #tpu.memory_space<vmem>>) target(%dma_start3A_66 : memref<64x256xf32, #tpu.memory_space<hbm>>) target_semaphore(%arg16 : memref<!tpu.dma_semaphore, #tpu.memory_space<semaphore_mem>>)
    %dma_wait3A_67 = arith.constant 0 : i32
    %dma_wait3A_68 = tpu.memref_slice %arg5[%dma_wait3A_67] : memref<33280xi32, #tpu.memory_space<vmem>> -> memref<64xi32, #tpu.memory_space<vmem>>
    %dma_wait3A_69 = arith.constant 0 : i32
    %dma_wait3A_70 = arith.constant 0 : i32
    %dma_wait3A_71 = tpu.memref_slice %arg2[%dma_wait3A_69, %dma_wait3A_70] : memref<7800x256xf32, #tpu.memory_space<hbm>> -> memref<7800x256xf32, #tpu.memory_space<hbm>>
    tpu.wait_indirect_dma semaphore(%arg12 : memref<!tpu.dma_semaphore, #tpu.memory_space<semaphore_mem>>) src(%dma_wait3A_71 : memref<7800x256xf32, #tpu.memory_space<hbm>>) dst(%arg7 : memref<64x256xf32, #tpu.memory_space<vmem>>)
    %add3A_72 = arith.constant 64 : i32
    %add3A_73 = arith.addi %add3A_72, %select_n3A : i32
    %rem3A_74 = arith.constant 65 : i32
    %rem3A_75 = arith.remsi %add3A_73, %rem3A_74 : i32
    %add3A_76 = arith.constant 256 : i32
    %add3A_77 = arith.addi %mul3A_2, %add3A_76 : i32
    %dma_start3A_78 = arith.constant 0 : i32
    %dma_start3A_79 = tpu.memref_slice %arg4[%rem3A_75, %add3A_77, %dma_start3A_78] : memref<65x16384x256xf32, #tpu.memory_space<hbm>> -> memref<1x64x256xf32, #tpu.memory_space<hbm>>
    %dma_start3A_80 = tpu.memref_squeeze %dma_start3A_79 : memref<1x64x256xf32, #tpu.memory_space<hbm>> -> memref<64x256xf32, #tpu.memory_space<hbm>>
    %dma_start3A_81 = arith.constant 0 : i32
    %dma_start3A_82 = tpu.memref_slice %arg4[%rem3A_75, %add3A_77, %dma_start3A_81] : memref<65x16384x256xf32, #tpu.memory_space<hbm>> -> memref<1x64x256xf32, #tpu.memory_space<hbm>>
    %dma_start3A_83 = tpu.memref_squeeze %dma_start3A_82 : memref<1x64x256xf32, #tpu.memory_space<hbm>> -> memref<64x256xf32, #tpu.memory_space<hbm>>
    tpu.enqueue_dma source(%arg7 : memref<64x256xf32, #tpu.memory_space<vmem>>) target(%dma_start3A_83 : memref<64x256xf32, #tpu.memory_space<hbm>>) target_semaphore(%arg17 : memref<!tpu.dma_semaphore, #tpu.memory_space<semaphore_mem>>)
    %dma_wait3A_84 = arith.constant 0 : i32
    %dma_wait3A_85 = tpu.memref_slice %arg5[%dma_wait3A_84] : memref<33280xi32, #tpu.memory_space<vmem>> -> memref<64xi32, #tpu.memory_space<vmem>>
    %dma_wait3A_86 = arith.constant 0 : i32
    %dma_wait3A_87 = arith.constant 0 : i32
    %dma_wait3A_88 = tpu.memref_slice %arg2[%dma_wait3A_86, %dma_wait3A_87] : memref<7800x256xf32, #tpu.memory_space<hbm>> -> memref<7800x256xf32, #tpu.memory_space<hbm>>
    tpu.wait_indirect_dma semaphore(%arg13 : memref<!tpu.dma_semaphore, #tpu.memory_space<semaphore_mem>>) src(%dma_wait3A_88 : memref<7800x256xf32, #tpu.memory_space<hbm>>) dst(%arg8 : memref<64x256xf32, #tpu.memory_space<vmem>>)
    %add3A_89 = arith.constant 64 : i32
    %add3A_90 = arith.addi %add3A_89, %select_n3A : i32
    %rem3A_91 = arith.constant 65 : i32
    %rem3A_92 = arith.remsi %add3A_90, %rem3A_91 : i32
    %add3A_93 = arith.constant 320 : i32
    %add3A_94 = arith.addi %mul3A_2, %add3A_93 : i32
    %dma_start3A_95 = arith.constant 0 : i32
    %dma_start3A_96 = tpu.memref_slice %arg4[%rem3A_92, %add3A_94, %dma_start3A_95] : memref<65x16384x256xf32, #tpu.memory_space<hbm>> -> memref<1x64x256xf32, #tpu.memory_space<hbm>>
    %dma_start3A_97 = tpu.memref_squeeze %dma_start3A_96 : memref<1x64x256xf32, #tpu.memory_space<hbm>> -> memref<64x256xf32, #tpu.memory_space<hbm>>
    %dma_start3A_98 = arith.constant 0 : i32
    %dma_start3A_99 = tpu.memref_slice %arg4[%rem3A_92, %add3A_94, %dma_start3A_98] : memref<65x16384x256xf32, #tpu.memory_space<hbm>> -> memref<1x64x256xf32, #tpu.memory_space<hbm>>
    %dma_start3A_100 = tpu.memref_squeeze %dma_start3A_99 : memref<1x64x256xf32, #tpu.memory_space<hbm>> -> memref<64x256xf32, #tpu.memory_space<hbm>>
    tpu.enqueue_dma source(%arg8 : memref<64x256xf32, #tpu.memory_space<vmem>>) target(%dma_start3A_100 : memref<64x256xf32, #tpu.memory_space<hbm>>) target_semaphore(%arg18 : memref<!tpu.dma_semaphore, #tpu.memory_space<semaphore_mem>>)
    %dma_wait3A_101 = arith.constant 0 : i32
    %dma_wait3A_102 = tpu.memref_slice %arg5[%dma_wait3A_101] : memref<33280xi32, #tpu.memory_space<vmem>> -> memref<64xi32, #tpu.memory_space<vmem>>
    %dma_wait3A_103 = arith.constant 0 : i32
    %dma_wait3A_104 = arith.constant 0 : i32
    %dma_wait3A_105 = tpu.memref_slice %arg2[%dma_wait3A_103, %dma_wait3A_104] : memref<7800x256xf32, #tpu.memory_space<hbm>> -> memref<7800x256xf32, #tpu.memory_space<hbm>>
    tpu.wait_indirect_dma semaphore(%arg14 : memref<!tpu.dma_semaphore, #tpu.memory_space<semaphore_mem>>) src(%dma_wait3A_105 : memref<7800x256xf32, #tpu.memory_space<hbm>>) dst(%arg9 : memref<64x256xf32, #tpu.memory_space<vmem>>)
    %add3A_106 = arith.constant 64 : i32
    %add3A_107 = arith.addi %add3A_106, %select_n3A : i32
    %rem3A_108 = arith.constant 65 : i32
    %rem3A_109 = arith.remsi %add3A_107, %rem3A_108 : i32
    %add3A_110 = arith.constant 384 : i32
    %add3A_111 = arith.addi %mul3A_2, %add3A_110 : i32
    %dma_start3A_112 = arith.constant 0 : i32
    %dma_start3A_113 = tpu.memref_slice %arg4[%rem3A_109, %add3A_111, %dma_start3A_112] : memref<65x16384x256xf32, #tpu.memory_space<hbm>> -> memref<1x64x256xf32, #tpu.memory_space<hbm>>
    %dma_start3A_114 = tpu.memref_squeeze %dma_start3A_113 : memref<1x64x256xf32, #tpu.memory_space<hbm>> -> memref<64x256xf32, #tpu.memory_space<hbm>>
    %dma_start3A_115 = arith.constant 0 : i32
    %dma_start3A_116 = tpu.memref_slice %arg4[%rem3A_109, %add3A_111, %dma_start3A_115] : memref<65x16384x256xf32, #tpu.memory_space<hbm>> -> memref<1x64x256xf32, #tpu.memory_space<hbm>>
    %dma_start3A_117 = tpu.memref_squeeze %dma_start3A_116 : memref<1x64x256xf32, #tpu.memory_space<hbm>> -> memref<64x256xf32, #tpu.memory_space<hbm>>
    tpu.enqueue_dma source(%arg9 : memref<64x256xf32, #tpu.memory_space<vmem>>) target(%dma_start3A_117 : memref<64x256xf32, #tpu.memory_space<hbm>>) target_semaphore(%arg19 : memref<!tpu.dma_semaphore, #tpu.memory_space<semaphore_mem>>)
    %dma_wait3A_118 = arith.constant 0 : i32
    %dma_wait3A_119 = tpu.memref_slice %arg5[%dma_wait3A_118] : memref<33280xi32, #tpu.memory_space<vmem>> -> memref<64xi32, #tpu.memory_space<vmem>>
    %dma_wait3A_120 = arith.constant 0 : i32
    %dma_wait3A_121 = arith.constant 0 : i32
    %dma_wait3A_122 = tpu.memref_slice %arg2[%dma_wait3A_120, %dma_wait3A_121] : memref<7800x256xf32, #tpu.memory_space<hbm>> -> memref<7800x256xf32, #tpu.memory_space<hbm>>
    tpu.wait_indirect_dma semaphore(%arg15 : memref<!tpu.dma_semaphore, #tpu.memory_space<semaphore_mem>>) src(%dma_wait3A_122 : memref<7800x256xf32, #tpu.memory_space<hbm>>) dst(%arg10 : memref<64x256xf32, #tpu.memory_space<vmem>>)
    %add3A_123 = arith.constant 64 : i32
    %add3A_124 = arith.addi %add3A_123, %select_n3A : i32
    %rem3A_125 = arith.constant 65 : i32
    %rem3A_126 = arith.remsi %add3A_124, %rem3A_125 : i32
    %add3A_127 = arith.constant 448 : i32
    %add3A_128 = arith.addi %mul3A_2, %add3A_127 : i32
    %dma_start3A_129 = arith.constant 0 : i32
    %dma_start3A_130 = tpu.memref_slice %arg4[%rem3A_126, %add3A_128, %dma_start3A_129] : memref<65x16384x256xf32, #tpu.memory_space<hbm>> -> memref<1x64x256xf32, #tpu.memory_space<hbm>>
    %dma_start3A_131 = tpu.memref_squeeze %dma_start3A_130 : memref<1x64x256xf32, #tpu.memory_space<hbm>> -> memref<64x256xf32, #tpu.memory_space<hbm>>
    %dma_start3A_132 = arith.constant 0 : i32
    %dma_start3A_133 = tpu.memref_slice %arg4[%rem3A_126, %add3A_128, %dma_start3A_132] : memref<65x16384x256xf32, #tpu.memory_space<hbm>> -> memref<1x64x256xf32, #tpu.memory_space<hbm>>
    %dma_start3A_134 = tpu.memref_squeeze %dma_start3A_133 : memref<1x64x256xf32, #tpu.memory_space<hbm>> -> memref<64x256xf32, #tpu.memory_space<hbm>>
    tpu.enqueue_dma source(%arg10 : memref<64x256xf32, #tpu.memory_space<vmem>>) target(%dma_start3A_134 : memref<64x256xf32, #tpu.memory_space<hbm>>) target_semaphore(%arg20 : memref<!tpu.dma_semaphore, #tpu.memory_space<semaphore_mem>>)
    %dma_wait3A_135 = arith.constant 0 : i32
    %dma_wait3A_136 = arith.constant 0 : i32
    %dma_wait3A_137 = tpu.memref_slice %arg4[%dma_wait3A_135, %mul3A_2, %dma_wait3A_136] : memref<65x16384x256xf32, #tpu.memory_space<hbm>> -> memref<1x64x256xf32, #tpu.memory_space<hbm>>
    %dma_wait3A_138 = tpu.memref_squeeze %dma_wait3A_137 : memref<1x64x256xf32, #tpu.memory_space<hbm>> -> memref<64x256xf32, #tpu.memory_space<hbm>>
    %dma_wait3A_139 = arith.constant 0 : i32
    %dma_wait3A_140 = tpu.memref_slice %arg4[%dma_wait3A_135, %mul3A_2, %dma_wait3A_139] : memref<65x16384x256xf32, #tpu.memory_space<hbm>> -> memref<1x64x256xf32, #tpu.memory_space<hbm>>
    %dma_wait3A_141 = tpu.memref_squeeze %dma_wait3A_140 : memref<1x64x256xf32, #tpu.memory_space<hbm>> -> memref<64x256xf32, #tpu.memory_space<hbm>>
    tpu.wait_dma2 semaphore(%arg16 : memref<!tpu.dma_semaphore, #tpu.memory_space<semaphore_mem>>) src(%arg6 : memref<64x256xf32, #tpu.memory_space<vmem>>) dst(%dma_wait3A_141 : memref<64x256xf32, #tpu.memory_space<hbm>>)
    %dma_wait3A_142 = arith.constant 0 : i32
    %dma_wait3A_143 = arith.constant 0 : i32
    %dma_wait3A_144 = tpu.memref_slice %arg4[%dma_wait3A_142, %mul3A_2, %dma_wait3A_143] : memref<65x16384x256xf32, #tpu.memory_space<hbm>> -> memref<1x64x256xf32, #tpu.memory_space<hbm>>
    %dma_wait3A_145 = tpu.memref_squeeze %dma_wait3A_144 : memref<1x64x256xf32, #tpu.memory_space<hbm>> -> memref<64x256xf32, #tpu.memory_space<hbm>>
    %dma_wait3A_146 = arith.constant 0 : i32
    %dma_wait3A_147 = tpu.memref_slice %arg4[%dma_wait3A_142, %mul3A_2, %dma_wait3A_146] : memref<65x16384x256xf32, #tpu.memory_space<hbm>> -> memref<1x64x256xf32, #tpu.memory_space<hbm>>
    %dma_wait3A_148 = tpu.memref_squeeze %dma_wait3A_147 : memref<1x64x256xf32, #tpu.memory_space<hbm>> -> memref<64x256xf32, #tpu.memory_space<hbm>>
    tpu.wait_dma2 semaphore(%arg17 : memref<!tpu.dma_semaphore, #tpu.memory_space<semaphore_mem>>) src(%arg7 : memref<64x256xf32, #tpu.memory_space<vmem>>) dst(%dma_wait3A_148 : memref<64x256xf32, #tpu.memory_space<hbm>>)
    %dma_wait3A_149 = arith.constant 0 : i32
    %dma_wait3A_150 = arith.constant 0 : i32
    %dma_wait3A_151 = tpu.memref_slice %arg4[%dma_wait3A_149, %mul3A_2, %dma_wait3A_150] : memref<65x16384x256xf32, #tpu.memory_space<hbm>> -> memref<1x64x256xf32, #tpu.memory_space<hbm>>
    %dma_wait3A_152 = tpu.memref_squeeze %dma_wait3A_151 : memref<1x64x256xf32, #tpu.memory_space<hbm>> -> memref<64x256xf32, #tpu.memory_space<hbm>>
    %dma_wait3A_153 = arith.constant 0 : i32
    %dma_wait3A_154 = tpu.memref_slice %arg4[%dma_wait3A_149, %mul3A_2, %dma_wait3A_153] : memref<65x16384x256xf32, #tpu.memory_space<hbm>> -> memref<1x64x256xf32, #tpu.memory_space<hbm>>
    %dma_wait3A_155 = tpu.memref_squeeze %dma_wait3A_154 : memref<1x64x256xf32, #tpu.memory_space<hbm>> -> memref<64x256xf32, #tpu.memory_space<hbm>>
    tpu.wait_dma2 semaphore(%arg18 : memref<!tpu.dma_semaphore, #tpu.memory_space<semaphore_mem>>) src(%arg8 : memref<64x256xf32, #tpu.memory_space<vmem>>) dst(%dma_wait3A_155 : memref<64x256xf32, #tpu.memory_space<hbm>>)
    %dma_wait3A_156 = arith.constant 0 : i32
    %dma_wait3A_157 = arith.constant 0 : i32
    %dma_wait3A_158 = tpu.memref_slice %arg4[%dma_wait3A_156, %mul3A_2, %dma_wait3A_157] : memref<65x16384x256xf32, #tpu.memory_space<hbm>> -> memref<1x64x256xf32, #tpu.memory_space<hbm>>
    %dma_wait3A_159 = tpu.memref_squeeze %dma_wait3A_158 : memref<1x64x256xf32, #tpu.memory_space<hbm>> -> memref<64x256xf32, #tpu.memory_space<hbm>>
    %dma_wait3A_160 = arith.constant 0 : i32
    %dma_wait3A_161 = tpu.memref_slice %arg4[%dma_wait3A_156, %mul3A_2, %dma_wait3A_160] : memref<65x16384x256xf32, #tpu.memory_space<hbm>> -> memref<1x64x256xf32, #tpu.memory_space<hbm>>
    %dma_wait3A_162 = tpu.memref_squeeze %dma_wait3A_161 : memref<1x64x256xf32, #tpu.memory_space<hbm>> -> memref<64x256xf32, #tpu.memory_space<hbm>>
    tpu.wait_dma2 semaphore(%arg19 : memref<!tpu.dma_semaphore, #tpu.memory_space<semaphore_mem>>) src(%arg9 : memref<64x256xf32, #tpu.memory_space<vmem>>) dst(%dma_wait3A_162 : memref<64x256xf32, #tpu.memory_space<hbm>>)
    %dma_wait3A_163 = arith.constant 0 : i32
    %dma_wait3A_164 = arith.constant 0 : i32
    %dma_wait3A_165 = tpu.memref_slice %arg4[%dma_wait3A_163, %mul3A_2, %dma_wait3A_164] : memref<65x16384x256xf32, #tpu.memory_space<hbm>> -> memref<1x64x256xf32, #tpu.memory_space<hbm>>
    %dma_wait3A_166 = tpu.memref_squeeze %dma_wait3A_165 : memref<1x64x256xf32, #tpu.memory_space<hbm>> -> memref<64x256xf32, #tpu.memory_space<hbm>>
    %dma_wait3A_167 = arith.constant 0 : i32
    %dma_wait3A_168 = tpu.memref_slice %arg4[%dma_wait3A_163, %mul3A_2, %dma_wait3A_167] : memref<65x16384x256xf32, #tpu.memory_space<hbm>> -> memref<1x64x256xf32, #tpu.memory_space<hbm>>
    %dma_wait3A_169 = tpu.memref_squeeze %dma_wait3A_168 : memref<1x64x256xf32, #tpu.memory_space<hbm>> -> memref<64x256xf32, #tpu.memory_space<hbm>>
    tpu.wait_dma2 semaphore(%arg20 : memref<!tpu.dma_semaphore, #tpu.memory_space<semaphore_mem>>) src(%arg10 : memref<64x256xf32, #tpu.memory_space<vmem>>) dst(%dma_wait3A_169 : memref<64x256xf32, #tpu.memory_space<hbm>>)
    return
  }
}

module attributes {stable_mosaic.version = 14 : i64} {
  func.func @_idx_body(%arg0: i32, %arg1: memref<2048x65xi32, #tpu.memory_space<vmem>>, %arg2: memref<2048x65xi32, #tpu.memory_space<vmem>>, %arg3: memref<2048x65xi32, #tpu.memory_space<vmem>>, %arg4: memref<2048x65xi32, #tpu.memory_space<vmem>>) attributes {dimension_semantics = [#tpu.dimension_semantics<arbitrary>], iteration_bounds = array<i64: 8>, scalar_prefetch = 0 : i64, scratch_operands = 0 : i64, tpu.core_type = #tpu.core_type<tc>, window_params = [{transform_indices = @transform_0, window_bounds = array<i64: 2048, 65>}, {transform_indices = @transform_1, window_bounds = array<i64: 2048, 65>}, {transform_indices = @transform_2, window_bounds = array<i64: 2048, 65>}, {transform_indices = @transform_3, window_bounds = array<i64: 2048, 65>}]} {
    %iota3A = tpu.iota {dimensions = array<i32: 1>} : vector<2048x65xi32>
    %mul3A = arith.constant 120 : i32
    %mul3A_0 = vector.broadcast %mul3A : i32 to vector<2048x65xi32>
    %mul3A_1 = arith.muli %iota3A, %mul3A_0 : vector<2048x65xi32>
    %get3A = arith.constant 0 : index
    %get3A_2 = arith.constant 0 : index
    %get3A_3 = vector.load %arg1[%get3A, %get3A_2] : memref<2048x65xi32, #tpu.memory_space<vmem>>, vector<2048x65xi32>
    %mul3A_4 = arith.constant 15 : i32
    %mul3A_5 = vector.broadcast %mul3A_4 : i32 to vector<2048x65xi32>
    %mul3A_6 = arith.muli %get3A_3, %mul3A_5 : vector<2048x65xi32>
    %add3A = arith.addi %mul3A_1, %mul3A_6 : vector<2048x65xi32>
    %get3A_7 = arith.constant 0 : index
    %get3A_8 = arith.constant 0 : index
    %get3A_9 = vector.load %arg2[%get3A_7, %get3A_8] : memref<2048x65xi32, #tpu.memory_space<vmem>>, vector<2048x65xi32>
    %mul3A_10 = arith.constant 5 : i32
    %mul3A_11 = vector.broadcast %mul3A_10 : i32 to vector<2048x65xi32>
    %mul3A_12 = arith.muli %get3A_9, %mul3A_11 : vector<2048x65xi32>
    %add3A_13 = arith.addi %add3A, %mul3A_12 : vector<2048x65xi32>
    %get3A_14 = arith.constant 0 : index
    %get3A_15 = arith.constant 0 : index
    %get3A_16 = vector.load %arg3[%get3A_14, %get3A_15] : memref<2048x65xi32, #tpu.memory_space<vmem>>, vector<2048x65xi32>
    %add3A_17 = arith.addi %add3A_13, %get3A_16 : vector<2048x65xi32>
    %swap3A = arith.constant 0 : index
    %swap3A_18 = arith.constant 0 : index
    %swap3A_19 = vector.load %arg4[%swap3A, %swap3A_18] : memref<2048x65xi32, #tpu.memory_space<vmem>>, vector<2048x65xi32>
    tpu.vector_store %arg4[%swap3A, %swap3A_18], %add3A_17 {strides = array<i32>} : memref<2048x65xi32, #tpu.memory_space<vmem>>, vector<2048x65xi32>,
    return
  }
  func.func @transform_0(%arg0: i32) -> (i32, i32) {
    %c0_i32 = arith.constant 0 : i32
    %c0_i32_0 = arith.constant 0 : i32
    return %arg0, %c0_i32 : i32, i32
  }
  func.func @transform_1(%arg0: i32) -> (i32, i32) {
    %c0_i32 = arith.constant 0 : i32
    %c0_i32_0 = arith.constant 0 : i32
    return %arg0, %c0_i32 : i32, i32
  }
  func.func @transform_2(%arg0: i32) -> (i32, i32) {
    %c0_i32 = arith.constant 0 : i32
    %c0_i32_0 = arith.constant 0 : i32
    return %arg0, %c0_i32 : i32, i32
  }
  func.func @transform_3(%arg0: i32) -> (i32, i32) {
    %c0_i32 = arith.constant 0 : i32
    %c0_i32_0 = arith.constant 0 : i32
    return %arg0, %c0_i32 : i32, i32
  }
}

module attributes {stable_mosaic.version = 14 : i64} {
  func.func @_table_body(%arg0: memref<8x256xf32, #tpu.memory_space<vmem>>, %arg1: memref<3x256xf32, #tpu.memory_space<vmem>>, %arg2: memref<65x256xf32, #tpu.memory_space<vmem>>, %arg3: memref<5x256xf32, #tpu.memory_space<vmem>>, %arg4: memref<1x256xf32, #tpu.memory_space<vmem>>, %arg5: memref<1x256xf32, #tpu.memory_space<vmem>>, %arg6: memref<7800x256xf32, #tpu.memory_space<vmem>>) attributes {dimension_semantics = [], scalar_prefetch = 0 : i64, scratch_operands = 0 : i64, tpu.core_type = #tpu.core_type<tc>} {
    %iota3A = tpu.iota {dimensions = array<i32: 0>} : vector<7800x1xi32>
    %jit3A = arith.constant 120 : i32
    %div3A = vector.broadcast %jit3A : i32 to vector<7800x1xi32>
    %div3A_0 = arith.divsi %iota3A, %div3A : vector<7800x1xi32>
    %sign3A = arith.constant 0 : i32
    %sign3A_1 = vector.broadcast %sign3A : i32 to vector<7800x1xi32>
    %sign3A_2 = arith.cmpi sgt, %iota3A, %sign3A_1 : vector<7800x1xi32>
    %sign3A_3 = arith.extui %sign3A_2 : vector<7800x1xi1> to vector<7800x1xi32>
    %sign3A_4 = arith.constant 0 : i32
    %sign3A_5 = vector.broadcast %sign3A_4 : i32 to vector<7800x1xi32>
    %sign3A_6 = arith.cmpi slt, %iota3A, %sign3A_5 : vector<7800x1xi32>
    %sign3A_7 = arith.extui %sign3A_6 : vector<7800x1xi1> to vector<7800x1xi32>
    %sign3A_8 = arith.subi %sign3A_3, %sign3A_7 : vector<7800x1xi32>
    %sign3A_9 = arith.constant 0 : i32
    %sign3A_10 = arith.cmpi sgt, %jit3A, %sign3A_9 : i32
    %sign3A_11 = arith.extui %sign3A_10 : i1 to i32
    %sign3A_12 = arith.constant 0 : i32
    %sign3A_13 = arith.cmpi slt, %jit3A, %sign3A_12 : i32
    %sign3A_14 = arith.extui %sign3A_13 : i1 to i32
    %sign3A_15 = arith.subi %sign3A_11, %sign3A_14 : i32
    %ne3A = vector.broadcast %sign3A_15 : i32 to vector<7800x1xi32>
    %ne3A_16 = arith.cmpi ne, %sign3A_8, %ne3A : vector<7800x1xi32>
    %rem3A = vector.broadcast %jit3A : i32 to vector<7800x1xi32>
    %rem3A_17 = arith.remsi %iota3A, %rem3A : vector<7800x1xi32>
    %ne3A_18 = arith.constant 0 : i32
    %ne3A_19 = vector.broadcast %ne3A_18 : i32 to vector<7800x1xi32>
    %ne3A_20 = arith.cmpi ne, %rem3A_17, %ne3A_19 : vector<7800x1xi32>
    %and3A = arith.andi %ne3A_16, %ne3A_20 : vector<7800x1xi1>
    %sub3A = arith.constant 1 : i32
    %sub3A_21 = vector.broadcast %sub3A : i32 to vector<7800x1xi32>
    %sub3A_22 = arith.subi %div3A_0, %sub3A_21 : vector<7800x1xi32>
    %select_n3A = arith.select %and3A, %sub3A_22, %div3A_0 : vector<7800x1xi1>, vector<7800x1xi32>
    %jit3A_23 = arith.constant 120 : i32
    %eq3A = arith.constant 0 : i32
    %eq3A_24 = arith.cmpi eq, %jit3A_23, %eq3A : i32
    %jit3A_25 = arith.constant 1 : i32
    %select_n3A_26 = arith.select %eq3A_24, %jit3A_25, %jit3A_23 : i32
    %rem3A_27 = vector.broadcast %select_n3A_26 : i32 to vector<7800x1xi32>
    %rem3A_28 = arith.remsi %iota3A, %rem3A_27 : vector<7800x1xi32>
    %ne3A_29 = arith.constant 0 : i32
    %ne3A_30 = vector.broadcast %ne3A_29 : i32 to vector<7800x1xi32>
    %ne3A_31 = arith.cmpi ne, %rem3A_28, %ne3A_30 : vector<7800x1xi32>
    %lt3A = arith.constant 0 : i32
    %lt3A_32 = vector.broadcast %lt3A : i32 to vector<7800x1xi32>
    %lt3A_33 = arith.cmpi slt, %rem3A_28, %lt3A_32 : vector<7800x1xi32>
    %lt3A_34 = arith.constant 0 : i32
    %lt3A_35 = arith.cmpi slt, %select_n3A_26, %lt3A_34 : i32
    %ne3A_36 = vector.broadcast %lt3A_35 : i1 to vector<7800x1xi1>
    %ne3A_37 = vector.broadcast %ne3A_36 : vector<7800x1xi1> to vector<7800x1xi1>
    %ne3A_38 = arith.xori %lt3A_33, %ne3A_37 : vector<7800x1xi1>
    %and3A_39 = arith.andi %ne3A_38, %ne3A_31 : vector<7800x1xi1>
    %add3A = vector.broadcast %select_n3A_26 : i32 to vector<7800x1xi32>
    %add3A_40 = arith.addi %rem3A_28, %add3A : vector<7800x1xi32>
    %select_n3A_41 = arith.select %and3A_39, %add3A_40, %rem3A_28 : vector<7800x1xi1>, vector<7800x1xi32>
    %jit3A_42 = arith.constant 15 : i32
    %div3A_43 = vector.broadcast %jit3A_42 : i32 to vector<7800x1xi32>
    %div3A_44 = arith.divsi %select_n3A_41, %div3A_43 : vector<7800x1xi32>
    %sign3A_45 = arith.constant 0 : i32
    %sign3A_46 = vector.broadcast %sign3A_45 : i32 to vector<7800x1xi32>
    %sign3A_47 = arith.cmpi sgt, %select_n3A_41, %sign3A_46 : vector<7800x1xi32>
    %sign3A_48 = arith.extui %sign3A_47 : vector<7800x1xi1> to vector<7800x1xi32>
    %sign3A_49 = arith.constant 0 : i32
    %sign3A_50 = vector.broadcast %sign3A_49 : i32 to vector<7800x1xi32>
    %sign3A_51 = arith.cmpi slt, %select_n3A_41, %sign3A_50 : vector<7800x1xi32>
    %sign3A_52 = arith.extui %sign3A_51 : vector<7800x1xi1> to vector<7800x1xi32>
    %sign3A_53 = arith.subi %sign3A_48, %sign3A_52 : vector<7800x1xi32>
    %sign3A_54 = arith.constant 0 : i32
    %sign3A_55 = arith.cmpi sgt, %jit3A_42, %sign3A_54 : i32
    %sign3A_56 = arith.extui %sign3A_55 : i1 to i32
    %sign3A_57 = arith.constant 0 : i32
    %sign3A_58 = arith.cmpi slt, %jit3A_42, %sign3A_57 : i32
    %sign3A_59 = arith.extui %sign3A_58 : i1 to i32
    %sign3A_60 = arith.subi %sign3A_56, %sign3A_59 : i32
    %ne3A_61 = vector.broadcast %sign3A_60 : i32 to vector<7800x1xi32>
    %ne3A_62 = arith.cmpi ne, %sign3A_53, %ne3A_61 : vector<7800x1xi32>
    %rem3A_63 = vector.broadcast %jit3A_42 : i32 to vector<7800x1xi32>
    %rem3A_64 = arith.remsi %select_n3A_41, %rem3A_63 : vector<7800x1xi32>
    %ne3A_65 = arith.constant 0 : i32
    %ne3A_66 = vector.broadcast %ne3A_65 : i32 to vector<7800x1xi32>
    %ne3A_67 = arith.cmpi ne, %rem3A_64, %ne3A_66 : vector<7800x1xi32>
    %and3A_68 = arith.andi %ne3A_62, %ne3A_67 : vector<7800x1xi1>
    %sub3A_69 = arith.constant 1 : i32
    %sub3A_70 = vector.broadcast %sub3A_69 : i32 to vector<7800x1xi32>
    %sub3A_71 = arith.subi %div3A_44, %sub3A_70 : vector<7800x1xi32>
    %select_n3A_72 = arith.select %and3A_68, %sub3A_71, %div3A_44 : vector<7800x1xi1>, vector<7800x1xi32>
    %jit3A_73 = arith.constant 15 : i32
    %eq3A_74 = arith.constant 0 : i32
    %eq3A_75 = arith.cmpi eq, %jit3A_73, %eq3A_74 : i32
    %jit3A_76 = arith.constant 1 : i32
    %select_n3A_77 = arith.select %eq3A_75, %jit3A_76, %jit3A_73 : i32
    %rem3A_78 = vector.broadcast %select_n3A_77 : i32 to vector<7800x1xi32>
    %rem3A_79 = arith.remsi %select_n3A_41, %rem3A_78 : vector<7800x1xi32>
    %ne3A_80 = arith.constant 0 : i32
    %ne3A_81 = vector.broadcast %ne3A_80 : i32 to vector<7800x1xi32>
    %ne3A_82 = arith.cmpi ne, %rem3A_79, %ne3A_81 : vector<7800x1xi32>
    %lt3A_83 = arith.constant 0 : i32
    %lt3A_84 = vector.broadcast %lt3A_83 : i32 to vector<7800x1xi32>
    %lt3A_85 = arith.cmpi slt, %rem3A_79, %lt3A_84 : vector<7800x1xi32>
    %lt3A_86 = arith.constant 0 : i32
    %lt3A_87 = arith.cmpi slt, %select_n3A_77, %lt3A_86 : i32
    %ne3A_88 = vector.broadcast %lt3A_87 : i1 to vector<7800x1xi1>
    %ne3A_89 = vector.broadcast %ne3A_88 : vector<7800x1xi1> to vector<7800x1xi1>
    %ne3A_90 = arith.xori %lt3A_85, %ne3A_89 : vector<7800x1xi1>
    %and3A_91 = arith.andi %ne3A_90, %ne3A_82 : vector<7800x1xi1>
    %add3A_92 = vector.broadcast %select_n3A_77 : i32 to vector<7800x1xi32>
    %add3A_93 = arith.addi %rem3A_79, %add3A_92 : vector<7800x1xi32>
    %select_n3A_94 = arith.select %and3A_91, %add3A_93, %rem3A_79 : vector<7800x1xi1>, vector<7800x1xi32>
    %jit3A_95 = arith.constant 5 : i32
    %div3A_96 = vector.broadcast %jit3A_95 : i32 to vector<7800x1xi32>
    %div3A_97 = arith.divsi %select_n3A_94, %div3A_96 : vector<7800x1xi32>
    %sign3A_98 = arith.constant 0 : i32
    %sign3A_99 = vector.broadcast %sign3A_98 : i32 to vector<7800x1xi32>
    %sign3A_100 = arith.cmpi sgt, %select_n3A_94, %sign3A_99 : vector<7800x1xi32>
    %sign3A_101 = arith.extui %sign3A_100 : vector<7800x1xi1> to vector<7800x1xi32>
    %sign3A_102 = arith.constant 0 : i32
    %sign3A_103 = vector.broadcast %sign3A_102 : i32 to vector<7800x1xi32>
    %sign3A_104 = arith.cmpi slt, %select_n3A_94, %sign3A_103 : vector<7800x1xi32>
    %sign3A_105 = arith.extui %sign3A_104 : vector<7800x1xi1> to vector<7800x1xi32>
    %sign3A_106 = arith.subi %sign3A_101, %sign3A_105 : vector<7800x1xi32>
    %sign3A_107 = arith.constant 0 : i32
    %sign3A_108 = arith.cmpi sgt, %jit3A_95, %sign3A_107 : i32
    %sign3A_109 = arith.extui %sign3A_108 : i1 to i32
    %sign3A_110 = arith.constant 0 : i32
    %sign3A_111 = arith.cmpi slt, %jit3A_95, %sign3A_110 : i32
    %sign3A_112 = arith.extui %sign3A_111 : i1 to i32
    %sign3A_113 = arith.subi %sign3A_109, %sign3A_112 : i32
    %ne3A_114 = vector.broadcast %sign3A_113 : i32 to vector<7800x1xi32>
    %ne3A_115 = arith.cmpi ne, %sign3A_106, %ne3A_114 : vector<7800x1xi32>
    %rem3A_116 = vector.broadcast %jit3A_95 : i32 to vector<7800x1xi32>
    %rem3A_117 = arith.remsi %select_n3A_94, %rem3A_116 : vector<7800x1xi32>
    %ne3A_118 = arith.constant 0 : i32
    %ne3A_119 = vector.broadcast %ne3A_118 : i32 to vector<7800x1xi32>
    %ne3A_120 = arith.cmpi ne, %rem3A_117, %ne3A_119 : vector<7800x1xi32>
    %and3A_121 = arith.andi %ne3A_115, %ne3A_120 : vector<7800x1xi1>
    %sub3A_122 = arith.constant 1 : i32
    %sub3A_123 = vector.broadcast %sub3A_122 : i32 to vector<7800x1xi32>
    %sub3A_124 = arith.subi %div3A_97, %sub3A_123 : vector<7800x1xi32>
    %select_n3A_125 = arith.select %and3A_121, %sub3A_124, %div3A_97 : vector<7800x1xi1>, vector<7800x1xi32>
    %jit3A_126 = arith.constant 5 : i32
    %eq3A_127 = arith.constant 0 : i32
    %eq3A_128 = arith.cmpi eq, %jit3A_126, %eq3A_127 : i32
    %jit3A_129 = arith.constant 1 : i32
    %select_n3A_130 = arith.select %eq3A_128, %jit3A_129, %jit3A_126 : i32
    %rem3A_131 = vector.broadcast %select_n3A_130 : i32 to vector<7800x1xi32>
    %rem3A_132 = arith.remsi %select_n3A_41, %rem3A_131 : vector<7800x1xi32>
    %ne3A_133 = arith.constant 0 : i32
    %ne3A_134 = vector.broadcast %ne3A_133 : i32 to vector<7800x1xi32>
    %ne3A_135 = arith.cmpi ne, %rem3A_132, %ne3A_134 : vector<7800x1xi32>
    %lt3A_136 = arith.constant 0 : i32
    %lt3A_137 = vector.broadcast %lt3A_136 : i32 to vector<7800x1xi32>
    %lt3A_138 = arith.cmpi slt, %rem3A_132, %lt3A_137 : vector<7800x1xi32>
    %lt3A_139 = arith.constant 0 : i32
    %lt3A_140 = arith.cmpi slt, %select_n3A_130, %lt3A_139 : i32
    %ne3A_141 = vector.broadcast %lt3A_140 : i1 to vector<7800x1xi1>
    %ne3A_142 = vector.broadcast %ne3A_141 : vector<7800x1xi1> to vector<7800x1xi1>
    %ne3A_143 = arith.xori %lt3A_138, %ne3A_142 : vector<7800x1xi1>
    %and3A_144 = arith.andi %ne3A_143, %ne3A_135 : vector<7800x1xi1>
    %add3A_145 = vector.broadcast %select_n3A_130 : i32 to vector<7800x1xi32>
    %add3A_146 = arith.addi %rem3A_132, %add3A_145 : vector<7800x1xi32>
    %select_n3A_147 = arith.select %and3A_144, %add3A_146, %rem3A_132 : vector<7800x1xi1>, vector<7800x1xi32>
    %iota3A_148 = tpu.iota {dimensions = array<i32: 1>} : vector<7800x8xi32>
    %eq3A_149 = vector.broadcast %select_n3A_72 : vector<7800x1xi32> to vector<7800x8xi32>
    %eq3A_150 = arith.cmpi eq, %eq3A_149, %iota3A_148 : vector<7800x8xi32>
    %convert_element_type3A = arith.extui %eq3A_150 : vector<7800x8xi1> to vector<7800x8xi32>
    %convert_element_type3A_151 = arith.sitofp %convert_element_type3A : vector<7800x8xi32> to vector<7800x8xf32>
    %get3A = arith.constant 0 : index
    %get3A_152 = arith.constant 0 : index
    %get3A_153 = vector.load %arg0[%get3A, %get3A_152] : memref<8x256xf32, #tpu.memory_space<vmem>>, vector<8x256xf32>
    %dot_general3A = arith.constant dense<0.000000e+00> : vector<7800x256xf32>
    %dot_general3A_154 = tpu.matmul %convert_element_type3A_151, %get3A_153, %dot_general3A {dimension_numbers = #tpu.dot_dimension_numbers<[1], [0], [0], [1], [0, 0, 1, 1], [], []>, transpose_lhs_hint = false} : vector<7800x8xf32>, vector<8x256xf32>, vector<7800x256xf32> -> vector<7800x256xf32>
    %iota3A_155 = tpu.iota {dimensions = array<i32: 1>} : vector<7800x3xi32>
    %eq3A_156 = vector.broadcast %select_n3A_125 : vector<7800x1xi32> to vector<7800x3xi32>
    %eq3A_157 = arith.cmpi eq, %eq3A_156, %iota3A_155 : vector<7800x3xi32>
    %convert_element_type3A_158 = arith.extui %eq3A_157 : vector<7800x3xi1> to vector<7800x3xi32>
    %convert_element_type3A_159 = arith.sitofp %convert_element_type3A_158 : vector<7800x3xi32> to vector<7800x3xf32>
    %get3A_160 = arith.constant 0 : index
    %get3A_161 = arith.constant 0 : index
    %get3A_162 = vector.load %arg1[%get3A_160, %get3A_161] : memref<3x256xf32, #tpu.memory_space<vmem>>, vector<3x256xf32>
    %dot_general3A_163 = arith.constant dense<0.000000e+00> : vector<7800x256xf32>
    %dot_general3A_164 = tpu.matmul %convert_element_type3A_159, %get3A_162, %dot_general3A_163 {dimension_numbers = #tpu.dot_dimension_numbers<[1], [0], [0], [1], [0, 0, 1, 1], [], []>, transpose_lhs_hint = false} : vector<7800x3xf32>, vector<3x256xf32>, vector<7800x256xf32> -> vector<7800x256xf32>
    %add3A_165 = arith.addf %dot_general3A_154, %dot_general3A_164 : vector<7800x256xf32>
    %iota3A_166 = tpu.iota {dimensions = array<i32: 1>} : vector<7800x65xi32>
    %eq3A_167 = vector.broadcast %select_n3A : vector<7800x1xi32> to vector<7800x65xi32>
    %eq3A_168 = arith.cmpi eq, %eq3A_167, %iota3A_166 : vector<7800x65xi32>
    %convert_element_type3A_169 = arith.extui %eq3A_168 : vector<7800x65xi1> to vector<7800x65xi32>
    %convert_element_type3A_170 = arith.sitofp %convert_element_type3A_169 : vector<7800x65xi32> to vector<7800x65xf32>
    %get3A_171 = arith.constant 0 : index
    %get3A_172 = arith.constant 0 : index
    %get3A_173 = vector.load %arg2[%get3A_171, %get3A_172] : memref<65x256xf32, #tpu.memory_space<vmem>>, vector<65x256xf32>
    %dot_general3A_174 = arith.constant dense<0.000000e+00> : vector<7800x256xf32>
    %dot_general3A_175 = tpu.matmul %convert_element_type3A_170, %get3A_173, %dot_general3A_174 {dimension_numbers = #tpu.dot_dimension_numbers<[1], [0], [0], [1], [0, 0, 1, 1], [], []>, transpose_lhs_hint = false} : vector<7800x65xf32>, vector<65x256xf32>, vector<7800x256xf32> -> vector<7800x256xf32>
    %add3A_176 = arith.addf %add3A_165, %dot_general3A_175 : vector<7800x256xf32>
    %iota3A_177 = tpu.iota {dimensions = array<i32: 1>} : vector<7800x5xi32>
    %eq3A_178 = vector.broadcast %select_n3A_147 : vector<7800x1xi32> to vector<7800x5xi32>
    %eq3A_179 = arith.cmpi eq, %eq3A_178, %iota3A_177 : vector<7800x5xi32>
    %convert_element_type3A_180 = arith.extui %eq3A_179 : vector<7800x5xi1> to vector<7800x5xi32>
    %convert_element_type3A_181 = arith.sitofp %convert_element_type3A_180 : vector<7800x5xi32> to vector<7800x5xf32>
    %get3A_182 = arith.constant 0 : index
    %get3A_183 = arith.constant 0 : index
    %get3A_184 = vector.load %arg3[%get3A_182, %get3A_183] : memref<5x256xf32, #tpu.memory_space<vmem>>, vector<5x256xf32>
    %dot_general3A_185 = arith.constant dense<0.000000e+00> : vector<7800x256xf32>
    %dot_general3A_186 = tpu.matmul %convert_element_type3A_181, %get3A_184, %dot_general3A_185 {dimension_numbers = #tpu.dot_dimension_numbers<[1], [0], [0], [1], [0, 0, 1, 1], [], []>, transpose_lhs_hint = false} : vector<7800x5xf32>, vector<5x256xf32>, vector<7800x256xf32> -> vector<7800x256xf32>
    %add3A_187 = arith.addf %add3A_176, %dot_general3A_186 : vector<7800x256xf32>
    %reduce_sum3A = arith.constant dense<0.000000e+00> : vector<7800xf32>
    %reduce_sum3A_188 = vector.multi_reduction <add>, %add3A_187, %reduce_sum3A [1] : vector<7800x256xf32> to vector<7800xf32>
    %broadcast_in_dim3A = vector.shape_cast %reduce_sum3A_188 : vector<7800xf32> to vector<7800x1xf32>
    %div3A_189 = arith.constant 2.560000e+02 : f32
    %div3A_190 = vector.broadcast %div3A_189 : f32 to vector<7800x1xf32>
    %div3A_191 = arith.divf %broadcast_in_dim3A, %div3A_190 : vector<7800x1xf32>
    %sub3A_192 = vector.broadcast %div3A_191 : vector<7800x1xf32> to vector<7800x256xf32>
    %sub3A_193 = arith.subf %add3A_187, %sub3A_192 : vector<7800x256xf32>
    %square3A = arith.mulf %sub3A_193, %sub3A_193 : vector<7800x256xf32>
    %reduce_sum3A_194 = arith.constant dense<0.000000e+00> : vector<7800xf32>
    %reduce_sum3A_195 = vector.multi_reduction <add>, %square3A, %reduce_sum3A_194 [1] : vector<7800x256xf32> to vector<7800xf32>
    %broadcast_in_dim3A_196 = vector.shape_cast %reduce_sum3A_195 : vector<7800xf32> to vector<7800x1xf32>
    %div3A_197 = arith.constant 2.560000e+02 : f32
    %div3A_198 = vector.broadcast %div3A_197 : f32 to vector<7800x1xf32>
    %div3A_199 = arith.divf %broadcast_in_dim3A_196, %div3A_198 : vector<7800x1xf32>
    %sub3A_200 = vector.broadcast %div3A_191 : vector<7800x1xf32> to vector<7800x256xf32>
    %sub3A_201 = arith.subf %add3A_187, %sub3A_200 : vector<7800x256xf32>
    %add3A_202 = arith.constant 9.99999974E-6 : f32
    %add3A_203 = vector.broadcast %add3A_202 : f32 to vector<7800x1xf32>
    %add3A_204 = arith.addf %div3A_199, %add3A_203 : vector<7800x1xf32>
    %sqrt3A = math.sqrt %add3A_204 : vector<7800x1xf32>
    %div3A_205 = vector.broadcast %sqrt3A : vector<7800x1xf32> to vector<7800x256xf32>
    %div3A_206 = arith.divf %sub3A_201, %div3A_205 : vector<7800x256xf32>
    %get3A_207 = arith.constant 0 : index
    %get3A_208 = arith.constant 0 : index
    %get3A_209 = vector.load %arg4[%get3A_207, %get3A_208] : memref<1x256xf32, #tpu.memory_space<vmem>>, vector<1x256xf32>
    %mul3A = vector.broadcast %get3A_209 : vector<1x256xf32> to vector<7800x256xf32>
    %mul3A_210 = arith.mulf %div3A_206, %mul3A : vector<7800x256xf32>
    %get3A_211 = arith.constant 0 : index
    %get3A_212 = arith.constant 0 : index
    %get3A_213 = vector.load %arg5[%get3A_211, %get3A_212] : memref<1x256xf32, #tpu.memory_space<vmem>>, vector<1x256xf32>
    %add3A_214 = vector.broadcast %get3A_213 : vector<1x256xf32> to vector<7800x256xf32>
    %add3A_215 = arith.addf %mul3A_210, %add3A_214 : vector<7800x256xf32>
    %swap3A = arith.constant 0 : index
    %swap3A_216 = arith.constant 0 : index
    %swap3A_217 = vector.load %arg6[%swap3A, %swap3A_216] : memref<7800x256xf32, #tpu.memory_space<vmem>>, vector<7800x256xf32>
    tpu.vector_store %arg6[%swap3A, %swap3A_216], %add3A_215 {strides = array<i32>} : memref<7800x256xf32, #tpu.memory_space<vmem>>, vector<7800x256xf32>,
    return
  }
}

</mosaic_0001>

<sc_bundles>
// kernel: gather_offload_async_start
scs
__scs_entry_jumppad:
0x0: {  	(pc) =	sbr.rel $0x88, $3  }
0x1: {  	(tag) =	ssettag $0x0;
	lr =	simm.s32 $0x1  }
0x2: {  	[smem:$0x3F98] =	sst lr;
	_ =	strace $0xD0000000  }
0x3: {  	_ = 	snop  }
0x4: {  	_ = 	snop  }
0x5: {  	_ = 	snop  }
0x6: {  	_ = 	snop  }
0x7: {  	_ = 	snop  }
__scs_overlays_trampoline_lowered:
0x8: {  	[smem:$0x3FA7] =	sst s0  }
0x9: {  	[smem:$0x3FA8] =	sst s1  }
0xa: {  	[smem:$0x3FA9] =	sst s2  }
0xb: {  	[smem:$0x3FAA] =	sst s3  }
0xc: {  	[smem:$0x3FAB] =	sst s4  }
0xd: {  	[smem:$0x3FAC] =	sst s5  }
0xe: {  	[smem:$0x3FAD] =	sst s6  }
0xf: {  	[smem:$0x3FAE] =	sst s7  }
0x10: {  	[smem:$0x3FAF] =	sst s8  }
0x11: {  	[smem:$0x3FB0] =	sst s9;
	s0 =	simm.s32 @!p0 $0x0  }
0x12: {  	s1 =	sld [smem:$0x3F96];
	s0 =	simm.s32 @p0 $0x1  }
0x13: {  	[smem:$0x3FB1] =	sst s0;
	s0 =	simm.s32 @!p1 $0x0  }
0x14: {  	s2 =	sld [smem:$0x3F95];
	s0 =	simm.s32 @p1 $0x1  }
0x15: {  	[smem:$0x3FB2] =	sst s0;
	s0 =	simm.s32 @!p2 $0x0  }
0x16: {  	s3 =	sld [smem:$0x3FDB];
	s0 =	simm.s32 @p2 $0x1  }
0x17: {  	s4 =	simm.s32 $0x1BF5;
	[smem:$0x3FB4] =	sst s0  }
0x18: {  	s0 =	sld [smem:$0x3F97];
	_ =	swait.ge [sflag:s4], $0x0  }
0x19: {  	s7 =	sld [smem:$0x3F98]  }
0x1a: {  	s8 =	sadd.s32 $0xFFFFE003, lr  }
0x1b: {  	s9 =	sadd.s32 $0xFFFFFEF7, lr;
	s5 =	simm.s32 $0xFFFFFFFF;
	p2 =	slt.u32 s8, $0xFFFFF086  }
0x1c: {  	p1 =	slt.u32 s9, $0xF7A;
	s5 =	simm.s32 @!p2 $0x0  }
0x1d: {  	s5 =	simm.s32 @p1 $0x1;
	p0 =	seq.s32 s7, s2  }
0x1e: {  	s7 =	smul.u32 @!p0 $0xF7A, s2;
	p2 =	seq.s32 @!p0 s5, $0x0  }
0x1f: {  	s9 =	smul.u32 $0xF7A, s1;
	s8 =	simm.s32 @!p0 $0x1BF5;
	p2 =	por !p2, p0  }
0x20: {  	[sflag:s8] =	ssyncset.s32 @!p0 $0xFFFFF086;
	s6 =	sadd.s32 @!p0 s3, s7;
	s7 =	simm.s32 @!p0 $0x108  }
0x21: {  	s3 =	sadd.s32 s3, s9;
	s6 =	sadd.s32 @!p0 $0x88, s6;
	s7 =	simm.s32 @p2 $0x1082  }
0x22: {  	[simem:s7], [sflag:s8] =	dma.local @!p0 [hbm:s6], $0xF7A  }
0x23: {  	s9 =	sor.u32 $0xD0000000, s2;
	s6 =	simm.s32 $0x108;
	_ =	swait.ge @!p0 [sflag:s8], $0x0  }
0x24: {  	s3 =	sadd.s32 $0x88, s3;
	s6 =	simm.s32 @!p1 $0x1082;
	[sflag:s4] =	ssyncset.s32 $0xFFFFF086  }
0x25: {  	[simem:s6], [sflag:s4] =	dma.local [hbm:s3], $0xF7A  }
0x26: {  	[smem:$0x3F98] =	sst s1;
	(tag) =	ssettag s2;
	_ =	strace s9  }
0x27: {  	s1 =	sld [smem:$0x3FA8]  }
0x28: {  	s2 =	sld [smem:$0x3FA9]  }
0x29: {  	s4 =	sld [smem:$0x3FAB]  }
0x2a: {  	p0 =	seq.s32 s5, $0x0;
	s5 =	sld [smem:$0x3FAC]  }
0x2b: {  	s6 =	sld [smem:$0x3FAD]  }
0x2c: {  	s7 =	sld [smem:$0x3FAE]  }
0x2d: {  	s3 =	simm.s32 $0x108;
	s8 =	sld [smem:$0x3FAF]  }
0x2e: {  	s3 =	simm.s32 @!p0 $0x1082;
	s9 =	sld [smem:$0x3FB0]  }
0x2f: {  	lr =	sadd.s32 s0, s3;
	s0 =	sld [smem:$0x3FA7]  }
0x30: {  	s3 =	sld [smem:$0x3FAA]  }
0x31: {  	[smem:$0x3FB3] =	sst s10  }
0x32: {  	s10 =	sld [smem:$0x3FB1];
	_ =	sdelay $0x3  }
0x33: {  	p0 =	seq.s32 s10, $0x1;
	s10 =	sld [smem:$0x3FB3];
	_ =	sdelay $0x3  }
0x34: {  	[smem:$0x3FB3] =	sst s10  }
0x35: {  	s10 =	sld [smem:$0x3FB2];
	_ =	sdelay $0x3  }
0x36: {  	p1 =	seq.s32 s10, $0x1;
	s10 =	sld [smem:$0x3FB3];
	_ =	sdelay $0x3  }
0x37: {  	[smem:$0x3FB3] =	sst s10  }
0x38: {  	s10 =	sld [smem:$0x3FB4]  }
0x39: {  	_ = 	snop;
	(pc) =	sbr.ind lr, $3  }
0x3a: {  	_ = 	snop  }
0x3b: {  	_ = 	snop  }
0x3c: {  	p2 =	seq.s32 s10, $0x1;
	s10 =	sld [smem:$0x3FB3]  }
0x3d: {  	_ =	shalt  }
0x3e: {  	_ =	shalt  }
0x3f: {  	_ =	shalt  }
0x40: {  	_ =	shalt  }
0x41: {  	_ =	shalt  }
0x42: {  	_ =	shalt  }
0x43: {  	_ =	shalt  }
0x44: {  	_ =	shalt  }
0x45: {  	_ =	shalt  }
0x46: {  	_ =	shalt  }
0x47: {  	_ =	shalt  }
0x48: {  	_ =	shalt  }
0x49: {  	_ =	shalt  }
0x4a: {  	_ =	shalt  }
0x4b: {  	_ =	shalt  }
0x4c: {  	_ =	shalt  }
0x4d: {  	_ =	shalt  }
0x4e: {  	_ =	shalt  }
0x4f: {  	_ =	shalt  }
0x50: {  	_ =	shalt  }
0x51: {  	_ =	shalt  }
0x52: {  	_ =	shalt  }
0x53: {  	_ =	shalt  }
0x54: {  	_ =	shalt  }
0x55: {  	_ =	shalt  }
0x56: {  	_ =	shalt  }
0x57: {  	_ =	shalt  }
0x58: {  	_ =	shalt  }
0x59: {  	_ =	shalt  }
0x5a: {  	_ =	shalt  }
0x5b: {  	_ =	shalt  }
0x5c: {  	_ =	shalt  }
0x5d: {  	_ =	shalt  }
0x5e: {  	_ =	shalt  }
0x5f: {  	_ =	shalt  }
0x60: {  	_ =	shalt  }
0x61: {  	_ =	shalt  }
0x62: {  	_ =	shalt  }
0x63: {  	_ =	shalt  }
0x64: {  	_ =	shalt  }
0x65: {  	_ =	shalt  }
0x66: {  	_ =	shalt  }
0x67: {  	_ =	shalt  }
0x68: {  	_ =	shalt  }
0x69: {  	_ =	shalt  }
0x6a: {  	_ =	shalt  }
0x6b: {  	_ =	shalt  }
0x6c: {  	_ =	shalt  }
0x6d: {  	_ =	shalt  }
0x6e: {  	_ =	shalt  }
0x6f: {  	_ =	shalt  }
0x70: {  	_ =	shalt  }
0x71: {  	_ =	shalt  }
0x72: {  	_ =	shalt  }
0x73: {  	_ =	shalt  }
0x74: {  	_ =	shalt  }
0x75: {  	_ =	shalt  }
0x76: {  	_ =	shalt  }
0x77: {  	_ =	shalt  }
0x78: {  	_ =	shalt  }
0x79: {  	_ =	shalt  }
0x7a: {  	_ =	shalt  }
0x7b: {  	_ =	shalt  }
0x7c: {  	_ =	shalt  }
0x7d: {  	_ =	shalt  }
0x7e: {  	_ =	shalt  }
0x7f: {  	_ =	shalt  }
0x80: {  	_ =	shalt  }
0x81: {  	_ =	shalt  }
0x82: {  	_ =	shalt  }
0x83: {  	_ =	shalt  }
0x84: {  	_ =	shalt  }
0x85: {  	_ =	shalt  }
0x86: {  	_ =	shalt  }
0x87: {  	_ =	shalt  }
.Lfunc_end0:
.L_simem_size_0:
called_computation_lowered:
.L_overlay_start_0:
0x88: {  	s2 =	sld [smem:$0x3FD9]  }
0x89: {  	s3 =	sld [smem:$0x3FFE];
	_ =	sdelay $0x1  }
0x8a: {  	s1 =	srdreg.scid  }
0x8b: {  	s0 =	sand.u32 $0x1, s1  }
0x8c: {  	s17 =	sshll.u32 s0, $0xA;
	s2 =	sadd.s32 s3, s2  }
0x8d: {  	s2 =	sadd.s32 s2, s17  }
0x8e: {  	[smem:$0x3FBF] =	sst s2  }
0x8f: {  	_ = 	snop  }
0x90: {  	s2 =	sld [smem:$0x3FD0];
	(tm) =	ssettm $0x1  }
0x91: {  	s18 =	sld [smem:$0x3FFB];
	_ =	sdelay $0x3  }
0x92: {  	_ =	strace s18  }
0x93: {  	s3 =	sld [smem:$0x3FFC];
	_ =	sdelay $0x3  }
0x94: {  	_ =	strace s3  }
0x95: {  	s3 =	sld [smem:$0x3FFD];
	_ =	sdelay $0x3  }
0x96: {  	_ =	strace s3  }
0x97: {  	_ =	strace $0x8FFFFFFF  }
0x98: {  	s19 =	sld [smem:$0x3FDB];
	_ =	sdelay $0x1  }
0x99: {  	s4 =	simm.s32 $_scs_section_size  }
0x9a: {  	s5 =	simm.s32 $_size__tile_overlayer_lowered;
	s6 =	simm.s32 $_tile_overlayer_lowered  }
0x9b: {  	s22 =	simm.s32 $0x1BFF;
	s21 =	sshll.u32 s6, $0x1;
	s3 =	sadd.s32 s4, s19  }
0x9c: {  	s7 =	simm.s32 $0x0;
	s20 =	sshll.u32 s5, $0x1;
	s5 =	sadd.s32 s21, s3  }
0x9d: {  	[timem:s7], [sflag:s22] =	dma.local [hbm:s5], s20  }
0x9e: {  	_ =	swait.ge [sflag:s22], s20  }
0x9f: {  	s4 =	ssub.s32 $0x0, s20;
	[sflag:s22] =	ssyncset.done $0x0  }
0xa0: {  	[sflag:s22] =	ssyncadd.s32 s4;
	_ =	sdelay $0x1  }
0xa1: {  	s23 =	simm.s32 $0x1B8B  }
0xa2: {  	_ =	swait.ge [sflag:s23], $0x1  }
0xa3: {  	[sflag:s23] =	ssyncset.done $0x0  }
0xa4: {  	s25 =	simm.s32 $0x1B8E;
	s24 =	sld [smem:$0x3FFE];
	[sflag:s23] =	ssyncadd.s32 $0xFFFFFFFF  }
0xa5: {  	s26 =	simm.s32 $execute0_lowered;
	[smem:$0x3FD2] =	sst s25  }
0xa6: {  	s5 =	sshll.u32 s26, $0x1;
	_ =	strace $0x80000046;
	[dreg:$0x1] =	wrdreg $0xFFFFFFFF  }
0xa7: {  	s28 =	simm.s32 $_size_execute0_lowered;
	s3 =	sadd.s32 s3, s5;
	[dreg:$0x0] =	wrdreg $0x0  }
0xa8: {  	s5 =	sshll.u32 s28, $0x1;
	[dreg:$0x2] =	wrdreg s3  }
0xa9: {  	[dreg:$0x3] =	wrdreg s5  }
0xaa: {  	[dreg:$0x4] =	wrdreg $0xC0  }
0xab: {  	_ =	task [dreg:s7], $0x5FFFF  }
0xac: {  	[dreg:$0x1] =	wrdreg $0xFFFFFFFF  }
0xad: {  	[dreg:$0x0] =	wrdreg $0x60  }
0xae: {  	[dreg:$0x2] =	wrdreg s2  }
0xaf: {  	[dreg:$0x3] =	wrdreg s24  }
0xb0: {  	[dreg:$0x4] =	wrdreg $0x9  }
0xb1: {  	_ =	task.clear_ibuf [dreg:s7], $0x5FFFF;
	_ =	strace $0x90000046  }
0xb2: {  	s29 =	simm.s32 $0x9;
	_ =	strace $0x80000048  }
0xb3: {  	_ =	swait.ge [sflag:s29], $0x1  }
0xb4: {  	[sflag:s29] =	ssyncadd.s32 $0xFFFFFFFF  }
0xb5: {  	_ =	strace $0x90000048  }
0xb6: {  	_ =	sfence  }
0xb7: {  	s30 =	sld [smem:$0x0];
	_ =	sdelay $0x2  }
0xb8: {  	s31 =	sshll.u32 s1, $0xD;
	s1 =	sshrl.u32 s1, $0x2  }
0xb9: {  	s3 =	sand.u32 $0x4000, s31;
	s1 =	sadd.s32 s1, s30  }
0xba: {  	s0 =	sor.u32 s3, s0;
	s1 =	sshll.u32 s1, $0x11  }
0xbb: {  	s0 =	sor.u32 s1, s0  }
0xbc: {  	s0 =	sadd.s32 $0x8F2B, s0  }
0xbd: {  	[sflag:s0] =	ssyncadd.remote.s32 $0x1  }
0xbe: {  	_ =	sfence.sel $0xFFFF  }
0xbf: {  	[dreg:$0x0] =	wrdreg $0xFFFFFFFF;
	(pc) =	sbr.abs _section_cstart, $3  }
0xc0: {  	[dreg:$0x1] =	wrdreg $0xFFFFFFFF  }
0xc1: {  	_ =	task.clear_ibuf [dreg:s7], $0x2FFFF;
	_ =	strace $0x9FFFFFFF  }
0xc2: {  	(tm) =	ssettm $0x7FFFFFFF  }
0xc3: {  	_ =	shalt  }
tec
execute0_lowered:
.L_overlay_start_1:
0x0: {  	(tag) =	ssettag $0x1  }
0x1: {  	s0 =	srdreg.scid  }
0x2: {  	s1 =	sshll.u32 s0, $0x4  }
0x3: {  	s0 =	stileid.u32;
	s1 =	sand.u32 $0x10, s1  }
0x4: {  	s2 =	sor.u32 s0, s1  }
0x5: {  	s1 =	smin.u32 s2, $0x14  }
0x6: {  	s1 =	sadd.s32 s2, s1  }
0x7: {  	p0 =	slt.u32 s2, $0x14;
	s2 =	simm.s32 $0x50;
	s1 =	smul.u32 $0x28, s1  }
0x8: {  	s2 =	simm.s32 @!p0 $0x28  }
0x9: {  	s2 =	sadd.s32 s2, s1  }
0xa: {  	s3 =	smin.u32 s2, $0x820  }
0xb: {  	s7 =	ssub.s32 s3, s1  }
0xc: {  	p0 =	sgt.s32 s7, $0x0  }
0xd: {  	s7 =	simm.s32 @!p0 $0x0  }
0xe: {  	s4 =	rddreg [dreg:$0x0];
	s31 =	smul.u32 $0xCCCD, s7  }
0xf: {  	s9 =	rddreg [dreg:$0x1];
	s6 =	simm.s32 $0x1  }
0x10: {  	s11 =	simm.s32 $0x3;
	s13 =	simm.s32 $0x0;
	s8 =	sshrl.u32 s31, $0x15  }
0x11: {  	s12 =	simm.s32 $0x0;
	s5 =	sadd.s32 $0x2000, s9;
	s10 =	smul.u32 $0x28, s8  }
.Ltmp0:
0x12: {  	s9 =	sadd.s32 $0x2200, s9;
	s2 =	rddreg [dreg:$0x2];
	(pc) =	sbr.rel .LBB2_1-.Ltmp0, $4  }
0x13: {  	_ =	strace $0x80000047;
	p0 =	sne.s32 s7, s10;
	s10 =	simm.s32 $0x1  }
0x14: {  	[sflag:s6] =	ssyncpa.u1 $0x0;
	s7 =	simm.s32 $0x2;
	s10 =	simm.s32 @!p0 $0x0  }
0x15: {  	[sflag:s7] =	ssyncpa.u1 $0x0;
	p0 =	por $0x0, $0x0;
	s8 =	sadd.s32 s8, s10  }
0x16: {  	vm0 =	vmmov $0xff;
	vm1 =	vcmask $0x3F20;
	[sflag:s11] =	ssyncpa.u1 $0x0;
	s11 =	smov.u32 s1;
	s10 =	sadd.s32 $0x1, s8  }
.LBB2_11:
0x17: {  	s13 =	sadd.s32 $0x28, s11  }
0x18: {  	s15 =	smov.u32 s1;
	p2 =	slt.s32 s13, s3  }
0x19: {  	s15 =	smov.u32 @p2 s13;
	p2 =	sne.s32 s12, s10  }
.Ltmp1:
0x1a: {  	p1 =	slt.u32 s12, $0x2;
	(pc) =	sbr.rel @!p2 .LBB2_12-.Ltmp1, $4  }
0x1b: {  	s14 =	simm.s32 @!p1 $0x3  }
0x1c: {  	s16 =	sadd.s32 $0x1, s12;
	_ =	swait.ge @!p1 [sflag:s14], $0x5000  }
0x1d: {  	p0 =	por !p0, !p0;
	s13 =	smov.u32 s11;
	[sflag:s14] =	ssyncset.done @!p1 $0x0  }
0x1e: {  	s12 =	smov.u32 s16;
	s11 =	smov.u32 s15;
	[sflag:s14] =	ssyncadd.s32 @!p1 $0xFFFFB000  }
.LBB2_1:
0x1f: {  	p1 =	sge.u32 s12, s8  }
0x20: {  	s14 =	sxor.u32 @!p1 $0xFFFFFFFF, s12  }
0x21: {  	s14 =	sand.u32 @!p1 $0x1, s14  }
0x22: {  	s14 =	smul.u32 @!p1 $0xA0, s14  }
0x23: {  	s31 =	sadd.s32 $0xFFFFFFFF, s12;
	s15 =	sshrl.u32 @!p1 s11, $0x3  }
0x24: {  	s16 =	sand.u32 @!p1 $0x7, s11;
	s15 =	sadd.s32 @!p1 s5, s15;
	s14 =	sshrl.u32 @!p1 s14, $0x2  }
0x25: {  	[tilespmem:s14], [sflag:$0x2] =	stream.linear.gather @!p1 [hbm4b:s15+s16], $0x28, $0x38;
	[tilespmem:$0xA050] =	vst v63  }
0x26: {  	p1 =	sge.u32 s31, s8  }
.Ltmp2:
0x27: {  	_ = 	snop;
	(pc) =	sbr.rel @p1 .LBB2_11-.Ltmp2, $1  }
0x28: {  	_ =	sdelay $0x3  }
0x29: {  	s14 =	simm.s32 $0x1;
	s15 =	sand.u32 $0x1, s12  }
0x2a: {  	s14 =	simm.s32 @!p0 $0x0;
	s16 =	smul.u32 $0xA0, s15  }
0x2b: {  	_ =	swait.ge [sflag:s7], $0x28;
	s14 =	smul.u32 $0x14000, s14  }
0x2c: {  	s18 =	simm.s32 $0x0;
	p2 =	por $0x1, $0x1;
	[sflag:s7] =	ssyncset.done $0x0  }
0x2d: {  	[sflag:s7] =	ssyncadd.s32 $0xFFFFFFD8;
	s16 =	sshrl.u32 s16, $0x2;
	s17 =	sshrl.u32 s14, $0x2  }
0x2e: {  	s14 =	sor.u32 $0x50, s17;
	s15 =	sadd.s32 $0x4050, s17;
	s17 =	sadd.s32 $0x50, s17  }
.LBB2_3:
0x2f: {  	s19 =	sshll.u32 s18, $0x4  }
0x30: {  	s19 =	sand.u32 $0x3FFFFFF0, s19  }
0x31: {  	s19 =	sadd.s32 s19, s16  }
0x32: {  	v0 =	vld.msk [tilespmem:s19+$0x0 ss:$0x1], $0xffff;
	_ =	sdelay $0x4  }
0x33: {  	vm2 =	veq.s32 v0, $0x80000000;
	v1 =	vand.u32 $0x1F, v0  }
0x34: {  	v0 =	vshll.u32 v0, $0x9;
	v1 =	vsel vm2, $0xFFFFFFFF, v1  }
0x35: {  	v0 =	vand.u32 $0x1FC000, v0;
	v2 =	vshll.u32 v1, $0x9  }
0x36: {  	v0 =	vsel vm2, $0xFFFFC000, v0;
	v1 =	vshll.u32 v1, $0x7;
	v2 =	vand.u32 $0xFFFFF000, v2  }
0x37: {  	v1 =	vand.u32 $0x380, v1;
	v0 =	vadd.s32 v0, v2  }
0x38: {  	v0 =	vor.u32 v1, v0  }
0x39: {  	v0 =	vshrl.u32 v0, $0x3  }
0x3a: {  	s31 =	sshll.u32 s18, $0xF  }
0x3b: {  	s18 =	sshra.s32 s31, $0x2  }
0x3c: {  	s18 =	sadd.s32 s18, s17  }
0x3d: {  	s20 =	sadd.s32 $0x0, s18  }
0x3e: {  	[tilespmem:s20], [sflag:$0x1] =	stream.indirect_vreg.gather [hbm:s4], $0x80, v0, vm0, $0x38;
	[tilespmem:$0xA050] =	vst v63  }
0x3f: {  	p1 =	por p2, p2;
	s19 =	simm.s32 $0x1000;
	v1 =	vadd.s32 $0x80, v0;
	s20 =	sadd.s32 $0x1000, s20  }
.LBB2_4:
0x40: {  	[tilespmem:s20], [sflag:$0x1] =	stream.indirect_vreg.gather [hbm:s4], $0x80, v0, vm1, $0x38;
	[tilespmem:$0xA050] =	vst v63  }
0x41: {  	v0 =	vmov v1;
	s20 =	smov.u32 s19;
	p2 =	sne.s32 s19, $0x3000  }
.Ltmp3:
0x42: {  	s19 =	sadd.s32 $0x1000, s19;
	(pc) =	sbr.rel @p2 .LBB2_4-.Ltmp3, $4  }
0x43: {  	s20 =	sshra.s32 s20, $0x2  }
0x44: {  	s20 =	sadd.s32 s20, s18  }
0x45: {  	[tilespmem:s20], [sflag:$0x1] =	stream.indirect_vreg.gather [hbm:s4], $0x80, v1, vm0, $0x38;
	[tilespmem:$0xA050] =	vst v63  }
0x46: {  	s20 =	sadd.s32 $0x1000, s20;
	v1 =	vadd.s32 $0x80, v1  }
0x47: {  	_ = 	snop  }
.Ltmp4:
0x48: {  	_ = 	snop;
	(pc) =	sbr.rel @p1 .LBB2_3-.Ltmp4, $3  }
0x49: {  	_ =	sdelay $0x1  }
0x4a: {  	[tilespmem:s20], [sflag:$0x1] =	stream.indirect_vreg.gather [hbm:s4], $0x80, v0, vm1, $0x38;
	[tilespmem:$0xA050] =	vst v63  }
0x4b: {  	s18 =	simm.s32 $0x1;
	p2 =	por $0x0, $0x0  }
0x4c: {  	v0 =	vld.msk [tilespmem:s16+$0x20 ss:$0x1], $0xff;
	_ =	sdelay $0x4  }
0x4d: {  	vm2 =	veq.s32 v0, $0x80000000;
	v1 =	vand.u32 $0x1F, v0  }
0x4e: {  	v0 =	vshll.u32 v0, $0x9;
	v1 =	vsel vm2, $0xFFFFFFFF, v1  }
0x4f: {  	v0 =	vand.u32 $0x1FC000, v0;
	v2 =	vshll.u32 v1, $0x9  }
0x50: {  	v0 =	vsel vm2, $0xFFFFC000, v0;
	v1 =	vshll.u32 v1, $0x7;
	v2 =	vand.u32 $0xFFFFF000, v2  }
0x51: {  	v1 =	vand.u32 $0x380, v1;
	v0 =	vadd.s32 v0, v2  }
0x52: {  	v0 =	vor.u32 v1, v0  }
0x53: {  	v0 =	vshrl.u32 v0, $0x3;
	_ =	sdelay $0x3  }
0x54: {  	s16 =	simm.s32 $0x1000;
	s17 =	sadd.s32 $0x0, s15  }
.LBB2_7:
0x55: {  	[tilespmem:s17], [sflag:$0x1] =	stream.indirect_vreg.gather [hbm:s4], $0x80, v0, vm0, $0x38;
	[tilespmem:$0xA050] =	vst v63  }
0x56: {  	v0 =	vadd.s32 $0x80, v0;
	s17 =	smov.u32 s16;
	p1 =	sne.s32 s16, $0x3000  }
.Ltmp5:
0x57: {  	s16 =	sadd.s32 $0x1000, s16;
	(pc) =	sbr.rel @p1 .LBB2_7-.Ltmp5, $3  }
0x58: {  	_ =	sdelay $0x1  }
0x59: {  	s17 =	sshra.s32 s17, $0x2  }
0x5a: {  	s17 =	sadd.s32 s17, s15  }
0x5b: {  	_ =	sdelay $0x3  }
0x5c: {  	[tilespmem:s17], [sflag:$0x1] =	stream.indirect_vreg.gather [hbm:s4], $0x80, v0, vm0, $0x38;
	[tilespmem:$0xA050] =	vst v63  }
0x5d: {  	s15 =	sshll.u32 s13, $0x6  }
0x5e: {  	s31 =	sshll.u32 s13, $0x4;
	s15 =	sand.u32 $0xFFFFFE00, s15  }
0x5f: {  	_ =	swait.ge [sflag:s6], $0x5000;
	s13 =	sand.u32 $0x70, s31;
	s15 =	sadd.s32 s15, s9  }
0x60: {  	s16 =	sadd.s32 $0x1000, s14;
	[sflag:s6] =	ssyncset.done $0x0;
	s13 =	sadd.s32 s13, s15  }
0x61: {  	[sflag:s6] =	ssyncadd.s32 $0xFFFFB000;
	s15 =	simm.s32 $0x200;
	s17 =	sadd.s32 $0x0, s13  }
.LBB2_9:
0x62: {  	[hbm:s17] =	stream.linear.scatter [tilespmem:s14], [sflag:$0x3], $0x1000, $0x38;
	[tilespmem:$0xA050] =	vst v63  }
0x63: {  	s17 =	smov.u32 s15;
	s14 =	smov.u32 s16;
	p1 =	sne.s32 s15, $0x800  }
.Ltmp6:
0x64: {  	s15 =	sadd.s32 $0x200, s15;
	(pc) =	sbr.rel @p1 .LBB2_9-.Ltmp6, $2  }
0x65: {  	_ =	sdelay $0x2  }
0x66: {  	s16 =	sadd.s32 $0x1000, s16;
	s17 =	sadd.s32 s17, s13  }
.Ltmp7:
0x67: {  	(pc) =	sbr.rel .LBB2_11-.Ltmp7, $2  }
0x68: {  	_ =	sdelay $0x2  }
0x69: {  	[hbm:s17] =	stream.linear.scatter [tilespmem:s14], [sflag:$0x3], $0x1000, $0x38;
	[tilespmem:$0xA050] =	vst v63  }
.LBB2_12:
0x6a: {  	_ =	sfence.sel $0x180000  }
0x6b: {  	s1 =	simm.s32 $0x2;
	[bflag:$0x0] =	sbarrier.arrive $0xFFFF  }
0x6c: {  	s30 =	simm.s32 $0x3;
	[sflag:s1] =	ssyncpa.u1 $0x1  }
0x6d: {  	s31 =	simm.s32 $0x1;
	[sflag:s30] =	ssyncpa.u1 $0x1  }
0x6e: {  	[sflag:s31] =	ssyncpa.u1 $0x1  }
0x6f: {  	p0 =	sne.s32 s0, $0x0;
	_ =	strace $0x90000047  }
0x70: {  	s0 =	sadd.s32 @!p0 $0x100000, s2;
	[bflag:$0x2] =	sbarrier.arrive $0xFFFF  }
0x71: {  	[sflag:s0] =	ssyncadd.tile.s32 @!p0 $0x1;
	_ =	shalt  }
.Lfunc_end2:
_tile_overlayer_lowered:
.L_overlay_start_2:
0x72: {  	(tag) =	ssettag $0x2  }
0x73: {  	s0 =	rddreg [dreg:$0x0];
	s2 =	stileid.u32  }
0x74: {  	s1 =	rddreg [dreg:$0x1];
	p0 =	sne.s32 s2, $0x0  }
0x75: {  	s3 =	rddreg [dreg:$0x2];
	[bflag:$0x3] =	sbarrier.arrive $0xFFFF;
	s2 =	simm.s32 @!p0 $0x1C01  }
0x76: {  	[timem:s3], [sflag:s2] =	dma.local @!p0 [hbm:s0], s1  }
0x77: {  	s0 =	simm.s32 @!p0 $0x1  }
0x78: {  	_ =	swait.ge @!p0 [sflag:s0], s1  }
0x79: {  	s1 =	ssub.s32 @!p0 $0x0, s1;
	[sflag:s0] =	ssyncset.done @!p0 $0x0  }
0x7a: {  	[sflag:s0] =	ssyncadd.s32 @!p0 s1  }
0x7b: {  	[bflag:$0x3] =	sbarrier.arrive $0xFFFF  }
0x7c: {  	_ =	shalt  }

// kernel: kernel.5.cloned.1.call-start
scs
__scs_entry_jumppad:
0x0: {  	(pc) =	sbr.rel $0x88, $3  }
0x1: {  	(tag) =	ssettag $0x0;
	lr =	simm.s32 $0x1  }
0x2: {  	[smem:$0x3F98] =	sst lr;
	_ =	strace $0xD0000000  }
0x3: {  	_ = 	snop  }
0x4: {  	_ = 	snop  }
0x5: {  	_ = 	snop  }
0x6: {  	_ = 	snop  }
0x7: {  	_ = 	snop  }
__scs_overlays_trampoline_lowered:
0x8: {  	[smem:$0x3FA7] =	sst s0  }
0x9: {  	[smem:$0x3FA8] =	sst s1  }
0xa: {  	[smem:$0x3FA9] =	sst s2  }
0xb: {  	[smem:$0x3FAA] =	sst s3  }
0xc: {  	[smem:$0x3FAB] =	sst s4  }
0xd: {  	[smem:$0x3FAC] =	sst s5  }
0xe: {  	[smem:$0x3FAD] =	sst s6  }
0xf: {  	[smem:$0x3FAE] =	sst s7  }
0x10: {  	[smem:$0x3FAF] =	sst s8  }
0x11: {  	[smem:$0x3FB0] =	sst s9;
	s0 =	simm.s32 @!p0 $0x0  }
0x12: {  	s1 =	sld [smem:$0x3F96];
	s0 =	simm.s32 @p0 $0x1  }
0x13: {  	[smem:$0x3FB1] =	sst s0;
	s0 =	simm.s32 @!p1 $0x0  }
0x14: {  	s2 =	sld [smem:$0x3F95];
	s0 =	simm.s32 @p1 $0x1  }
0x15: {  	[smem:$0x3FB2] =	sst s0;
	s0 =	simm.s32 @!p2 $0x0  }
0x16: {  	s3 =	sld [smem:$0x3FDB];
	s0 =	simm.s32 @p2 $0x1  }
0x17: {  	s4 =	simm.s32 $0x1BF5;
	[smem:$0x3FB4] =	sst s0  }
0x18: {  	s0 =	sld [smem:$0x3F97];
	_ =	swait.ge [sflag:s4], $0x0  }
0x19: {  	s7 =	sld [smem:$0x3F98]  }
0x1a: {  	s8 =	sadd.s32 $0xFFFFE003, lr  }
0x1b: {  	s9 =	sadd.s32 $0xFFFFFEF7, lr;
	s5 =	simm.s32 $0xFFFFFFFF;
	p2 =	slt.u32 s8, $0xFFFFF086  }
0x1c: {  	p1 =	slt.u32 s9, $0xF7A;
	s5 =	simm.s32 @!p2 $0x0  }
0x1d: {  	s5 =	simm.s32 @p1 $0x1;
	p0 =	seq.s32 s7, s2  }
0x1e: {  	s7 =	smul.u32 @!p0 $0xF7A, s2;
	p2 =	seq.s32 @!p0 s5, $0x0  }
0x1f: {  	s9 =	smul.u32 $0xF7A, s1;
	s8 =	simm.s32 @!p0 $0x1BF5;
	p2 =	por !p2, p0  }
0x20: {  	[sflag:s8] =	ssyncset.s32 @!p0 $0xFFFFF086;
	s6 =	sadd.s32 @!p0 s3, s7;
	s7 =	simm.s32 @!p0 $0x108  }
0x21: {  	s3 =	sadd.s32 s3, s9;
	s6 =	sadd.s32 @!p0 $0x88, s6;
	s7 =	simm.s32 @p2 $0x1082  }
0x22: {  	[simem:s7], [sflag:s8] =	dma.local @!p0 [hbm:s6], $0xF7A  }
0x23: {  	s9 =	sor.u32 $0xD0000000, s2;
	s6 =	simm.s32 $0x108;
	_ =	swait.ge @!p0 [sflag:s8], $0x0  }
0x24: {  	s3 =	sadd.s32 $0x88, s3;
	s6 =	simm.s32 @!p1 $0x1082;
	[sflag:s4] =	ssyncset.s32 $0xFFFFF086  }
0x25: {  	[simem:s6], [sflag:s4] =	dma.local [hbm:s3], $0xF7A  }
0x26: {  	[smem:$0x3F98] =	sst s1;
	(tag) =	ssettag s2;
	_ =	strace s9  }
0x27: {  	s1 =	sld [smem:$0x3FA8]  }
0x28: {  	s2 =	sld [smem:$0x3FA9]  }
0x29: {  	s4 =	sld [smem:$0x3FAB]  }
0x2a: {  	p0 =	seq.s32 s5, $0x0;
	s5 =	sld [smem:$0x3FAC]  }
0x2b: {  	s6 =	sld [smem:$0x3FAD]  }
0x2c: {  	s7 =	sld [smem:$0x3FAE]  }
0x2d: {  	s3 =	simm.s32 $0x108;
	s8 =	sld [smem:$0x3FAF]  }
0x2e: {  	s3 =	simm.s32 @!p0 $0x1082;
	s9 =	sld [smem:$0x3FB0]  }
0x2f: {  	lr =	sadd.s32 s0, s3;
	s0 =	sld [smem:$0x3FA7]  }
0x30: {  	s3 =	sld [smem:$0x3FAA]  }
0x31: {  	[smem:$0x3FB3] =	sst s10  }
0x32: {  	s10 =	sld [smem:$0x3FB1];
	_ =	sdelay $0x3  }
0x33: {  	p0 =	seq.s32 s10, $0x1;
	s10 =	sld [smem:$0x3FB3];
	_ =	sdelay $0x3  }
0x34: {  	[smem:$0x3FB3] =	sst s10  }
0x35: {  	s10 =	sld [smem:$0x3FB2];
	_ =	sdelay $0x3  }
0x36: {  	p1 =	seq.s32 s10, $0x1;
	s10 =	sld [smem:$0x3FB3];
	_ =	sdelay $0x3  }
0x37: {  	[smem:$0x3FB3] =	sst s10  }
0x38: {  	s10 =	sld [smem:$0x3FB4]  }
0x39: {  	_ = 	snop;
	(pc) =	sbr.ind lr, $3  }
0x3a: {  	_ = 	snop  }
0x3b: {  	_ = 	snop  }
0x3c: {  	p2 =	seq.s32 s10, $0x1;
	s10 =	sld [smem:$0x3FB3]  }
0x3d: {  	_ =	shalt  }
0x3e: {  	_ =	shalt  }
0x3f: {  	_ =	shalt  }
0x40: {  	_ =	shalt  }
0x41: {  	_ =	shalt  }
0x42: {  	_ =	shalt  }
0x43: {  	_ =	shalt  }
0x44: {  	_ =	shalt  }
0x45: {  	_ =	shalt  }
0x46: {  	_ =	shalt  }
0x47: {  	_ =	shalt  }
0x48: {  	_ =	shalt  }
0x49: {  	_ =	shalt  }
0x4a: {  	_ =	shalt  }
0x4b: {  	_ =	shalt  }
0x4c: {  	_ =	shalt  }
0x4d: {  	_ =	shalt  }
0x4e: {  	_ =	shalt  }
0x4f: {  	_ =	shalt  }
0x50: {  	_ =	shalt  }
0x51: {  	_ =	shalt  }
0x52: {  	_ =	shalt  }
0x53: {  	_ =	shalt  }
0x54: {  	_ =	shalt  }
0x55: {  	_ =	shalt  }
0x56: {  	_ =	shalt  }
0x57: {  	_ =	shalt  }
0x58: {  	_ =	shalt  }
0x59: {  	_ =	shalt  }
0x5a: {  	_ =	shalt  }
0x5b: {  	_ =	shalt  }
0x5c: {  	_ =	shalt  }
0x5d: {  	_ =	shalt  }
0x5e: {  	_ =	shalt  }
0x5f: {  	_ =	shalt  }
0x60: {  	_ =	shalt  }
0x61: {  	_ =	shalt  }
0x62: {  	_ =	shalt  }
0x63: {  	_ =	shalt  }
0x64: {  	_ =	shalt  }
0x65: {  	_ =	shalt  }
0x66: {  	_ =	shalt  }
0x67: {  	_ =	shalt  }
0x68: {  	_ =	shalt  }
0x69: {  	_ =	shalt  }
0x6a: {  	_ =	shalt  }
0x6b: {  	_ =	shalt  }
0x6c: {  	_ =	shalt  }
0x6d: {  	_ =	shalt  }
0x6e: {  	_ =	shalt  }
0x6f: {  	_ =	shalt  }
0x70: {  	_ =	shalt  }
0x71: {  	_ =	shalt  }
0x72: {  	_ =	shalt  }
0x73: {  	_ =	shalt  }
0x74: {  	_ =	shalt  }
0x75: {  	_ =	shalt  }
0x76: {  	_ =	shalt  }
0x77: {  	_ =	shalt  }
0x78: {  	_ =	shalt  }
0x79: {  	_ =	shalt  }
0x7a: {  	_ =	shalt  }
0x7b: {  	_ =	shalt  }
0x7c: {  	_ =	shalt  }
0x7d: {  	_ =	shalt  }
0x7e: {  	_ =	shalt  }
0x7f: {  	_ =	shalt  }
0x80: {  	_ =	shalt  }
0x81: {  	_ =	shalt  }
0x82: {  	_ =	shalt  }
0x83: {  	_ =	shalt  }
0x84: {  	_ =	shalt  }
0x85: {  	_ =	shalt  }
0x86: {  	_ =	shalt  }
0x87: {  	_ =	shalt  }
.Lfunc_end0:
.L_simem_size_0:
called_computation.1_lowered:
.L_overlay_start_0:
0x88: {  	s2 =	sld [smem:$0x3FD9]  }
0x89: {  	s3 =	sld [smem:$0x3FFE];
	_ =	sdelay $0x1  }
0x8a: {  	s1 =	srdreg.scid  }
0x8b: {  	s0 =	sand.u32 $0x1, s1  }
0x8c: {  	s17 =	sshll.u32 s0, $0xA;
	s2 =	sadd.s32 s3, s2  }
0x8d: {  	s2 =	sadd.s32 s2, s17  }
0x8e: {  	[smem:$0x3FBF] =	sst s2  }
0x8f: {  	_ = 	snop  }
0x90: {  	s2 =	sld [smem:$0x3FD0];
	(tm) =	ssettm $0x1  }
0x91: {  	s18 =	sld [smem:$0x3FFB];
	_ =	sdelay $0x3  }
0x92: {  	_ =	strace s18  }
0x93: {  	s3 =	sld [smem:$0x3FFC];
	_ =	sdelay $0x3  }
0x94: {  	_ =	strace s3  }
0x95: {  	s3 =	sld [smem:$0x3FFD];
	_ =	sdelay $0x3  }
0x96: {  	_ =	strace s3  }
0x97: {  	_ =	strace $0x8FFFFFFF  }
0x98: {  	s19 =	sld [smem:$0x3FDB];
	_ =	sdelay $0x1  }
0x99: {  	s4 =	simm.s32 $_scs_section_size  }
0x9a: {  	s5 =	simm.s32 $_size__tile_overlayer_lowered;
	s6 =	simm.s32 $_tile_overlayer_lowered  }
0x9b: {  	s22 =	simm.s32 $0x1BFF;
	s21 =	sshll.u32 s6, $0x1;
	s3 =	sadd.s32 s4, s19  }
0x9c: {  	s7 =	simm.s32 $0x0;
	s20 =	sshll.u32 s5, $0x1;
	s5 =	sadd.s32 s21, s3  }
0x9d: {  	[timem:s7], [sflag:s22] =	dma.local [hbm:s5], s20  }
0x9e: {  	_ =	swait.ge [sflag:s22], s20  }
0x9f: {  	s4 =	ssub.s32 $0x0, s20;
	[sflag:s22] =	ssyncset.done $0x0  }
0xa0: {  	[sflag:s22] =	ssyncadd.s32 s4;
	_ =	sdelay $0x1  }
0xa1: {  	s23 =	simm.s32 $0x1B8B  }
0xa2: {  	_ =	swait.ge [sflag:s23], $0x1  }
0xa3: {  	[sflag:s23] =	ssyncset.done $0x0  }
0xa4: {  	s25 =	simm.s32 $0x1B8E;
	s24 =	sld [smem:$0x3FFE];
	[sflag:s23] =	ssyncadd.s32 $0xFFFFFFFF  }
0xa5: {  	s26 =	simm.s32 $execute0_lowered;
	[smem:$0x3FD2] =	sst s25  }
0xa6: {  	s5 =	sshll.u32 s26, $0x1;
	_ =	strace $0x80000049;
	[dreg:$0x1] =	wrdreg $0xFFFFFFFF  }
0xa7: {  	s28 =	simm.s32 $_size_execute0_lowered;
	s3 =	sadd.s32 s3, s5;
	[dreg:$0x0] =	wrdreg $0x0  }
0xa8: {  	s5 =	sshll.u32 s28, $0x1;
	[dreg:$0x2] =	wrdreg s3  }
0xa9: {  	[dreg:$0x3] =	wrdreg s5  }
0xaa: {  	[dreg:$0x4] =	wrdreg $0xC0  }
0xab: {  	_ =	task [dreg:s7], $0x5FFFF  }
0xac: {  	[dreg:$0x1] =	wrdreg $0xFFFFFFFF  }
0xad: {  	[dreg:$0x0] =	wrdreg $0x60  }
0xae: {  	[dreg:$0x2] =	wrdreg s24  }
0xaf: {  	[dreg:$0x3] =	wrdreg s2  }
0xb0: {  	[dreg:$0x4] =	wrdreg $0x9  }
0xb1: {  	_ =	task.clear_ibuf [dreg:s7], $0x5FFFF;
	_ =	strace $0x90000049  }
0xb2: {  	s29 =	simm.s32 $0x9;
	_ =	strace $0x8000004B  }
0xb3: {  	_ =	swait.ge [sflag:s29], $0x1  }
0xb4: {  	[sflag:s29] =	ssyncadd.s32 $0xFFFFFFFF  }
0xb5: {  	_ =	strace $0x9000004B  }
0xb6: {  	_ =	sfence  }
0xb7: {  	s30 =	sld [smem:$0x0];
	_ =	sdelay $0x2  }
0xb8: {  	s31 =	sshll.u32 s1, $0xD;
	s1 =	sshrl.u32 s1, $0x2  }
0xb9: {  	s3 =	sand.u32 $0x4000, s31;
	s1 =	sadd.s32 s1, s30  }
0xba: {  	s0 =	sor.u32 s3, s0;
	s1 =	sshll.u32 s1, $0x11  }
0xbb: {  	s0 =	sor.u32 s1, s0  }
0xbc: {  	s0 =	sadd.s32 $0x8F2B, s0  }
0xbd: {  	[sflag:s0] =	ssyncadd.remote.s32 $0x1  }
0xbe: {  	_ =	sfence.sel $0xFFFF  }
0xbf: {  	[dreg:$0x0] =	wrdreg $0xFFFFFFFF;
	(pc) =	sbr.abs _section_cstart, $3  }
0xc0: {  	[dreg:$0x1] =	wrdreg $0xFFFFFFFF  }
0xc1: {  	_ =	task.clear_ibuf [dreg:s7], $0x2FFFF;
	_ =	strace $0x9FFFFFFF  }
0xc2: {  	(tm) =	ssettm $0x7FFFFFFF  }
0xc3: {  	_ =	shalt  }
tec
execute0_lowered:
.L_overlay_start_1:
0x0: {  	(tag) =	ssettag $0x1  }
0x1: {  	s0 =	srdreg.scid;
	s6 =	rddreg [dreg:$0x0]  }
0x2: {  	s1 =	stileid.u32;
	s2 =	rddreg [dreg:$0x1];
	s3 =	simm.s32 $0x0  }
0x3: {  	s15 =	simm.s32 $0x8200;
	s19 =	simm.s32 $0xA200;
	s20 =	simm.s32 $0xAA00  }
0x4: {  	s28 =	simm.s32 $0xBA00;
	s29 =	simm.s32 $0xCA00;
	s30 =	simm.s32 $0xD200  }
0x5: {  	s31 =	simm.s32 $0xDA00;
	s13 =	simm.s32 $0x14200;
	s11 =	simm.s32 $0x6  }
0x6: {  	s12 =	simm.s32 $0x7;
	s0 =	sand.u32 $0x1, s0;
	s1 =	sshll.u32 s1, $0x1  }
0x7: {  	s14 =	simm.s32 $0x8;
	s16 =	simm.s32 $0x9;
	s1 =	sor.u32 s0, s1  }
0x8: {  	s17 =	simm.s32 $0xA;
	[smem:$0x7FF] =	sst s3;
	s4 =	smul.u32 $0x41, s1  }
0x9: {  	s18 =	simm.s32 $0x0;
	_ =	strace $0x8000004A;
	s0 =	ssub.s32 $0x2, s0  }
0xa: {  	[dreg:$0xa] =	wrdreg s18;
	s8 =	smul.u32 $0x1040, s1;
	s4 =	sshrl.u32 s4, $0x5  }
0xb: {  	s9 =	sshll.u32 s1, $0xE;
	s10 =	sshrl.u32 s0, $0x1;
	s5 =	sor.u32 $0x40, s4  }
0xc: {  	s0 =	ssub.s32 s0, s10;
	s10 =	simm.s32 $0x5;
	s7 =	sshll.u32 s5, $0x13  }
0xd: {  	s8 =	sadd.s32 s8, s6;
	p0 =	seq.s32 s5, $0x40;
	s7 =	sadd.s32 $0xFDF80000, s7  }
0xe: {  	s0 =	smax.u32 s0, $0x1;
	s21 =	sadd.s32 $0x2000, s8;
	s7 =	simm.s32 @p0 $0x2000000  }
0xf: {  	[dreg:$0x9] =	wrdreg s0;
	s0 =	simm.s32 $0x1;
	s7 =	sor.u32 s9, s7  }
0x10: {  	s8 =	simm.s32 $0x3;
	s5 =	sadd.s32 $0x22A00, s6;
	s7 =	sadd.s32 s7, s2  }
0x11: {  	s6 =	sshll.u32 s1, $0x9;
	[dreg:$0x3] =	wrdreg s21;
	s22 =	sadd.s32 $0x1800, s7  }
0x12: {  	s21 =	simm.s32 $0x8A00;
	s23 =	sadd.s32 $0x2000, s7;
	[dreg:$0x4] =	wrdreg s22  }
0x13: {  	s1 =	simm.s32 $0x10200;
	s24 =	sadd.s32 $0x2800, s7;
	[dreg:$0x5] =	wrdreg s23  }
0x14: {  	s9 =	simm.s32 $0x4;
	s25 =	sadd.s32 $0x3000, s7;
	[dreg:$0x6] =	wrdreg s24  }
0x15: {  	v2 =	vlaneseq.u32;
	s26 =	sadd.s32 $0x3800, s7;
	s7 =	simm.s32 $0x2;
	[dreg:$0x7] =	wrdreg s25  }
0x16: {  	vm0 =	vmmov $0xffff;
	v1 =	vshrl.u32 v2, $0x3;
	[dreg:$0x8] =	wrdreg s26;
	s24 =	simm.s32 $0x9200;
	s25 =	simm.s32 $0x9A00  }
0x17: {  	v0 =	vand.u32 $0x7, v2;
	v2 =	vor.u32 $0x8, v2;
	v1 =	vmul.u32 $0x8, v1;
	s26 =	simm.s32 $0xB200;
	s23 =	simm.s32 $0xC200;
	s22 =	simm.s32 $0x18200  }
.LBB2_1:
0x18: {  	s18 =	rddreg [dreg:$0x3]  }
0x19: {  	[tilespmem:s3], [sflag:$0xB] =	stream.linear.gather [hbm4b:s18+s3], $0x8200, $0x38;
	[tilespmem:$0x1C200] =	vst v63  }
0x1a: {  	s18 =	simm.s32 $0xB  }
0x1b: {  	_ =	swait.ge [sflag:s18], $0x8200  }
0x1c: {  	[sflag:s18] =	ssyncset.done $0x0  }
0x1d: {  	[sflag:s18] =	ssyncadd.s32 $0xFFFF7E00  }
0x1e: {  	v3 =	vld [tilespmem:$0x0];
	_ =	sdelay $0x4  }
0x1f: {  	v4 =	vshll.u32 v3, $0x1  }
0x20: {  	v3 =	vand.u32 $0x7, v3;
	v4 =	vand.u32 $0xFFFFFFF0, v4  }
0x21: {  	v3 =	vor.u32 v3, v4  }
0x22: {  	v4 =	vperm.xlane v3, v0;
	_ =	sdelay $0x1  }
0x23: {  	v3 =	vperm.xlane v3, v2;
	v4 =	vadd.s32 v1, v4;
	_ =	sdelay $0x1  }
0x24: {  	v3 =	vadd.s32 v1, v3;
	_ =	sdelay $0x2  }
0x25: {  	[tilespmem:s15], [sflag:$0x1] =	stream.indirect_vreg.gather [hbm4b:s5+s3], $0x80, v4, vm0, $0xb8;
	[tilespmem:$0x1C200] =	vst v63  }
0x26: {  	_ = 	snop  }
0x27: {  	[tilespmem:s21], [sflag:$0x1] =	stream.indirect_vreg.gather [hbm4b:s5+s3], $0x80, v3, vm0, $0xb8;
	[tilespmem:$0x1C200] =	vst v63  }
0x28: {  	v3 =	vld [tilespmem:$0x10];
	_ =	sdelay $0x4  }
0x29: {  	v45 =	vshll.u32 v3, $0x1  }
0x2a: {  	v3 =	vand.u32 $0x7, v3;
	v4 =	vand.u32 $0xFFFFFFF0, v45  }
0x2b: {  	v3 =	vor.u32 v3, v4  }
0x2c: {  	v4 =	vperm.xlane v3, v0;
	_ =	sdelay $0x1  }
0x2d: {  	v3 =	vperm.xlane v3, v2;
	v4 =	vadd.s32 v1, v4;
	_ =	sdelay $0x1  }
0x2e: {  	v3 =	vadd.s32 v1, v3;
	_ =	sdelay $0x2  }
0x2f: {  	[tilespmem:s24], [sflag:$0x1] =	stream.indirect_vreg.gather [hbm4b:s5+s3], $0x80, v4, vm0, $0xb8;
	[tilespmem:$0x1C200] =	vst v63  }
0x30: {  	_ = 	snop  }
0x31: {  	[tilespmem:s25], [sflag:$0x1] =	stream.indirect_vreg.gather [hbm4b:s5+s3], $0x80, v3, vm0, $0xb8;
	[tilespmem:$0x1C200] =	vst v63  }
0x32: {  	v3 =	vld [tilespmem:$0x20];
	_ =	sdelay $0x4  }
0x33: {  	v46 =	vshll.u32 v3, $0x1  }
0x34: {  	v3 =	vand.u32 $0x7, v3;
	v4 =	vand.u32 $0xFFFFFFF0, v46  }
0x35: {  	v3 =	vor.u32 v3, v4  }
0x36: {  	v4 =	vperm.xlane v3, v0;
	_ =	sdelay $0x1  }
0x37: {  	v3 =	vperm.xlane v3, v2;
	v4 =	vadd.s32 v1, v4;
	_ =	sdelay $0x1  }
0x38: {  	v3 =	vadd.s32 v1, v3;
	_ =	sdelay $0x2  }
0x39: {  	[tilespmem:s19], [sflag:$0x1] =	stream.indirect_vreg.gather [hbm4b:s5+s3], $0x80, v4, vm0, $0xb8;
	[tilespmem:$0x1C200] =	vst v63  }
0x3a: {  	_ = 	snop  }
0x3b: {  	[tilespmem:s20], [sflag:$0x1] =	stream.indirect_vreg.gather [hbm4b:s5+s3], $0x80, v3, vm0, $0xb8;
	[tilespmem:$0x1C200] =	vst v63  }
0x3c: {  	v3 =	vld [tilespmem:$0x30];
	_ =	sdelay $0x4  }
0x3d: {  	v47 =	vshll.u32 v3, $0x1  }
0x3e: {  	v3 =	vand.u32 $0x7, v3;
	v4 =	vand.u32 $0xFFFFFFF0, v47  }
0x3f: {  	v3 =	vor.u32 v3, v4  }
0x40: {  	v4 =	vperm.xlane v3, v0;
	_ =	sdelay $0x1  }
0x41: {  	v3 =	vperm.xlane v3, v2;
	v4 =	vadd.s32 v1, v4;
	_ =	sdelay $0x1  }
0x42: {  	v3 =	vadd.s32 v1, v3;
	_ =	sdelay $0x2  }
0x43: {  	[tilespmem:s26], [sflag:$0x1] =	stream.indirect_vreg.gather [hbm4b:s5+s3], $0x80, v4, vm0, $0xb8;
	[tilespmem:$0x1C200] =	vst v63  }
0x44: {  	_ = 	snop  }
0x45: {  	[tilespmem:s28], [sflag:$0x1] =	stream.indirect_vreg.gather [hbm4b:s5+s3], $0x80, v3, vm0, $0xb8;
	[tilespmem:$0x1C200] =	vst v63  }
0x46: {  	v3 =	vld [tilespmem:$0x40];
	_ =	sdelay $0x4  }
0x47: {  	v48 =	vshll.u32 v3, $0x1  }
0x48: {  	v3 =	vand.u32 $0x7, v3;
	v4 =	vand.u32 $0xFFFFFFF0, v48  }
0x49: {  	v3 =	vor.u32 v3, v4  }
0x4a: {  	v4 =	vperm.xlane v3, v0;
	_ =	sdelay $0x1  }
0x4b: {  	v3 =	vperm.xlane v3, v2;
	v4 =	vadd.s32 v1, v4;
	_ =	sdelay $0x1  }
0x4c: {  	v3 =	vadd.s32 v1, v3;
	_ =	sdelay $0x2  }
0x4d: {  	[tilespmem:s23], [sflag:$0x2] =	stream.indirect_vreg.gather [hbm4b:s5+s3], $0x80, v4, vm0, $0xb8;
	[tilespmem:$0x1C200] =	vst v63  }
0x4e: {  	_ = 	snop  }
0x4f: {  	[tilespmem:s29], [sflag:$0x2] =	stream.indirect_vreg.gather [hbm4b:s5+s3], $0x80, v3, vm0, $0xb8;
	[tilespmem:$0x1C200] =	vst v63  }
0x50: {  	v3 =	vld [tilespmem:$0x50];
	_ =	sdelay $0x4  }
0x51: {  	v49 =	vshll.u32 v3, $0x1  }
0x52: {  	v3 =	vand.u32 $0x7, v3;
	v4 =	vand.u32 $0xFFFFFFF0, v49  }
0x53: {  	v3 =	vor.u32 v3, v4  }
0x54: {  	v4 =	vperm.xlane v3, v0;
	_ =	sdelay $0x1  }
0x55: {  	v3 =	vperm.xlane v3, v2;
	v4 =	vadd.s32 v1, v4;
	_ =	sdelay $0x1  }
0x56: {  	v3 =	vadd.s32 v1, v3;
	_ =	sdelay $0x2  }
0x57: {  	[tilespmem:s30], [sflag:$0x2] =	stream.indirect_vreg.gather [hbm4b:s5+s3], $0x80, v4, vm0, $0xb8;
	[tilespmem:$0x1C200] =	vst v63  }
0x58: {  	_ = 	snop  }
0x59: {  	[tilespmem:s31], [sflag:$0x2] =	stream.indirect_vreg.gather [hbm4b:s5+s3], $0x80, v3, vm0, $0xb8;
	[tilespmem:$0x1C200] =	vst v63  }
0x5a: {  	v3 =	vld [tilespmem:$0x60];
	_ =	sdelay $0x4  }
0x5b: {  	v50 =	vshll.u32 v3, $0x1  }
0x5c: {  	v3 =	vand.u32 $0x7, v3;
	v4 =	vand.u32 $0xFFFFFFF0, v50  }
0x5d: {  	v3 =	vor.u32 v3, v4  }
0x5e: {  	v4 =	vperm.xlane v3, v0;
	_ =	sdelay $0x1  }
0x5f: {  	v3 =	vperm.xlane v3, v2;
	v4 =	vadd.s32 v1, v4;
	_ =	sdelay $0x1  }
0x60: {  	v3 =	vadd.s32 v1, v3;
	_ =	sdelay $0x1  }
0x61: {  	s26 =	simm.s32 $0xE200  }
0x62: {  	[tilespmem:s26], [sflag:$0x2] =	stream.indirect_vreg.gather [hbm4b:s5+s3], $0x80, v4, vm0, $0xb8;
	[tilespmem:$0x1C200] =	vst v63  }
0x63: {  	s30 =	simm.s32 $0xEA00  }
0x64: {  	[tilespmem:s30], [sflag:$0x2] =	stream.indirect_vreg.gather [hbm4b:s5+s3], $0x80, v3, vm0, $0xb8;
	[tilespmem:$0x1C200] =	vst v63  }
0x65: {  	v3 =	vld [tilespmem:$0x70];
	_ =	sdelay $0x4  }
0x66: {  	v51 =	vshll.u32 v3, $0x1  }
0x67: {  	v3 =	vand.u32 $0x7, v3;
	v4 =	vand.u32 $0xFFFFFFF0, v51  }
0x68: {  	v3 =	vor.u32 v3, v4  }
0x69: {  	v4 =	vperm.xlane v3, v0;
	_ =	sdelay $0x1  }
0x6a: {  	v3 =	vperm.xlane v3, v2;
	v4 =	vadd.s32 v1, v4;
	_ =	sdelay $0x1  }
0x6b: {  	v3 =	vadd.s32 v1, v3;
	_ =	sdelay $0x1  }
0x6c: {  	s19 =	simm.s32 $0xF200  }
0x6d: {  	[tilespmem:s19], [sflag:$0x2] =	stream.indirect_vreg.gather [hbm4b:s5+s3], $0x80, v4, vm0, $0xb8;
	[tilespmem:$0x1C200] =	vst v63  }
0x6e: {  	s20 =	simm.s32 $0xFA00  }
0x6f: {  	[tilespmem:s20], [sflag:$0x2] =	stream.indirect_vreg.gather [hbm4b:s5+s3], $0x80, v3, vm0, $0xb8;
	[tilespmem:$0x1C200] =	vst v63  }
0x70: {  	v3 =	vld [tilespmem:$0x80];
	_ =	sdelay $0x4  }
0x71: {  	v52 =	vshll.u32 v3, $0x1  }
0x72: {  	v3 =	vand.u32 $0x7, v3;
	v4 =	vand.u32 $0xFFFFFFF0, v52  }
0x73: {  	v3 =	vor.u32 v3, v4  }
0x74: {  	v4 =	vperm.xlane v3, v0;
	_ =	sdelay $0x1  }
0x75: {  	v3 =	vperm.xlane v3, v2;
	v4 =	vadd.s32 v1, v4;
	_ =	sdelay $0x1  }
0x76: {  	v3 =	vadd.s32 v1, v3;
	_ =	sdelay $0x2  }
0x77: {  	[tilespmem:s1], [sflag:$0x3] =	stream.indirect_vreg.gather [hbm4b:s5+s3], $0x80, v4, vm0, $0xb8;
	[tilespmem:$0x1C200] =	vst v63  }
0x78: {  	s21 =	simm.s32 $0x10A00  }
0x79: {  	[tilespmem:s21], [sflag:$0x3] =	stream.indirect_vreg.gather [hbm4b:s5+s3], $0x80, v3, vm0, $0xb8;
	[tilespmem:$0x1C200] =	vst v63  }
0x7a: {  	v3 =	vld [tilespmem:$0x90];
	_ =	sdelay $0x4  }
0x7b: {  	v53 =	vshll.u32 v3, $0x1  }
0x7c: {  	v3 =	vand.u32 $0x7, v3;
	v4 =	vand.u32 $0xFFFFFFF0, v53  }
0x7d: {  	v3 =	vor.u32 v3, v4  }
0x7e: {  	v4 =	vperm.xlane v3, v0;
	_ =	sdelay $0x1  }
0x7f: {  	v3 =	vperm.xlane v3, v2;
	v4 =	vadd.s32 v1, v4;
	_ =	sdelay $0x1  }
0x80: {  	v3 =	vadd.s32 v1, v3;
	_ =	sdelay $0x1  }
0x81: {  	s24 =	simm.s32 $0x11200  }
0x82: {  	[tilespmem:s24], [sflag:$0x3] =	stream.indirect_vreg.gather [hbm4b:s5+s3], $0x80, v4, vm0, $0xb8;
	[tilespmem:$0x1C200] =	vst v63  }
0x83: {  	s25 =	simm.s32 $0x11A00  }
0x84: {  	[tilespmem:s25], [sflag:$0x3] =	stream.indirect_vreg.gather [hbm4b:s5+s3], $0x80, v3, vm0, $0xb8;
	[tilespmem:$0x1C200] =	vst v63  }
0x85: {  	v3 =	vld [tilespmem:$0xA0];
	_ =	sdelay $0x4  }
0x86: {  	v54 =	vshll.u32 v3, $0x1  }
0x87: {  	v3 =	vand.u32 $0x7, v3;
	v4 =	vand.u32 $0xFFFFFFF0, v54  }
0x88: {  	v3 =	vor.u32 v3, v4  }
0x89: {  	v4 =	vperm.xlane v3, v0;
	_ =	sdelay $0x1  }
0x8a: {  	v3 =	vperm.xlane v3, v2;
	v4 =	vadd.s32 v1, v4;
	_ =	sdelay $0x1  }
0x8b: {  	v3 =	vadd.s32 v1, v3;
	_ =	sdelay $0x1  }
0x8c: {  	s26 =	simm.s32 $0x12200  }
0x8d: {  	[tilespmem:s26], [sflag:$0x3] =	stream.indirect_vreg.gather [hbm4b:s5+s3], $0x80, v4, vm0, $0xb8;
	[tilespmem:$0x1C200] =	vst v63  }
0x8e: {  	s30 =	simm.s32 $0x12A00  }
0x8f: {  	[tilespmem:s30], [sflag:$0x3] =	stream.indirect_vreg.gather [hbm4b:s5+s3], $0x80, v3, vm0, $0xb8;
	[tilespmem:$0x1C200] =	vst v63  }
0x90: {  	v3 =	vld [tilespmem:$0xB0];
	_ =	sdelay $0x4  }
0x91: {  	v55 =	vshll.u32 v3, $0x1  }
0x92: {  	v3 =	vand.u32 $0x7, v3;
	v4 =	vand.u32 $0xFFFFFFF0, v55  }
0x93: {  	v3 =	vor.u32 v3, v4  }
0x94: {  	v4 =	vperm.xlane v3, v0;
	_ =	sdelay $0x1  }
0x95: {  	v3 =	vperm.xlane v3, v2;
	v4 =	vadd.s32 v1, v4;
	_ =	sdelay $0x1  }
0x96: {  	v3 =	vadd.s32 v1, v3;
	_ =	sdelay $0x1  }
0x97: {  	s19 =	simm.s32 $0x13200  }
0x98: {  	[tilespmem:s19], [sflag:$0x3] =	stream.indirect_vreg.gather [hbm4b:s5+s3], $0x80, v4, vm0, $0xb8;
	[tilespmem:$0x1C200] =	vst v63  }
0x99: {  	s20 =	simm.s32 $0x13A00  }
0x9a: {  	[tilespmem:s20], [sflag:$0x3] =	stream.indirect_vreg.gather [hbm4b:s5+s3], $0x80, v3, vm0, $0xb8;
	[tilespmem:$0x1C200] =	vst v63  }
0x9b: {  	v3 =	vld [tilespmem:$0xC0];
	_ =	sdelay $0x4  }
0x9c: {  	v56 =	vshll.u32 v3, $0x1  }
0x9d: {  	v3 =	vand.u32 $0x7, v3;
	v4 =	vand.u32 $0xFFFFFFF0, v56  }
0x9e: {  	v3 =	vor.u32 v3, v4  }
0x9f: {  	v4 =	vperm.xlane v3, v0;
	_ =	sdelay $0x1  }
0xa0: {  	v3 =	vperm.xlane v3, v2;
	v4 =	vadd.s32 v1, v4;
	_ =	sdelay $0x1  }
0xa1: {  	v3 =	vadd.s32 v1, v3;
	_ =	sdelay $0x2  }
0xa2: {  	[tilespmem:s13], [sflag:$0x4] =	stream.indirect_vreg.gather [hbm4b:s5+s3], $0x80, v4, vm0, $0xb8;
	[tilespmem:$0x1C200] =	vst v63  }
0xa3: {  	s21 =	simm.s32 $0x14A00  }
0xa4: {  	[tilespmem:s21], [sflag:$0x4] =	stream.indirect_vreg.gather [hbm4b:s5+s3], $0x80, v3, vm0, $0xb8;
	[tilespmem:$0x1C200] =	vst v63  }
0xa5: {  	v3 =	vld [tilespmem:$0xD0];
	_ =	sdelay $0x4  }
0xa6: {  	v57 =	vshll.u32 v3, $0x1  }
0xa7: {  	v3 =	vand.u32 $0x7, v3;
	v4 =	vand.u32 $0xFFFFFFF0, v57  }
0xa8: {  	v3 =	vor.u32 v3, v4  }
0xa9: {  	v4 =	vperm.xlane v3, v0;
	_ =	sdelay $0x1  }
0xaa: {  	v3 =	vperm.xlane v3, v2;
	v4 =	vadd.s32 v1, v4;
	_ =	sdelay $0x1  }
0xab: {  	v3 =	vadd.s32 v1, v3;
	_ =	sdelay $0x1  }
0xac: {  	s24 =	simm.s32 $0x15200  }
0xad: {  	[tilespmem:s24], [sflag:$0x4] =	stream.indirect_vreg.gather [hbm4b:s5+s3], $0x80, v4, vm0, $0xb8;
	[tilespmem:$0x1C200] =	vst v63  }
0xae: {  	s25 =	simm.s32 $0x15A00  }
0xaf: {  	[tilespmem:s25], [sflag:$0x4] =	stream.indirect_vreg.gather [hbm4b:s5+s3], $0x80, v3, vm0, $0xb8;
	[tilespmem:$0x1C200] =	vst v63  }
0xb0: {  	v3 =	vld [tilespmem:$0xE0];
	_ =	sdelay $0x4  }
0xb1: {  	v58 =	vshll.u32 v3, $0x1  }
0xb2: {  	v3 =	vand.u32 $0x7, v3;
	v4 =	vand.u32 $0xFFFFFFF0, v58  }
0xb3: {  	v3 =	vor.u32 v3, v4  }
0xb4: {  	v4 =	vperm.xlane v3, v0;
	_ =	sdelay $0x1  }
0xb5: {  	v3 =	vperm.xlane v3, v2;
	v4 =	vadd.s32 v1, v4;
	_ =	sdelay $0x1  }
0xb6: {  	v3 =	vadd.s32 v1, v3;
	_ =	sdelay $0x1  }
0xb7: {  	s26 =	simm.s32 $0x16200  }
0xb8: {  	[tilespmem:s26], [sflag:$0x4] =	stream.indirect_vreg.gather [hbm4b:s5+s3], $0x80, v4, vm0, $0xb8;
	[tilespmem:$0x1C200] =	vst v63  }
0xb9: {  	s30 =	simm.s32 $0x16A00  }
0xba: {  	[tilespmem:s30], [sflag:$0x4] =	stream.indirect_vreg.gather [hbm4b:s5+s3], $0x80, v3, vm0, $0xb8;
	[tilespmem:$0x1C200] =	vst v63  }
0xbb: {  	v3 =	vld [tilespmem:$0xF0];
	_ =	sdelay $0x4  }
0xbc: {  	v59 =	vshll.u32 v3, $0x1  }
0xbd: {  	v3 =	vand.u32 $0x7, v3;
	v4 =	vand.u32 $0xFFFFFFF0, v59  }
0xbe: {  	v3 =	vor.u32 v3, v4  }
0xbf: {  	v4 =	vperm.xlane v3, v0;
	_ =	sdelay $0x1  }
0xc0: {  	v3 =	vperm.xlane v3, v2;
	v4 =	vadd.s32 v1, v4;
	_ =	sdelay $0x1  }
0xc1: {  	v3 =	vadd.s32 v1, v3;
	_ =	sdelay $0x1  }
0xc2: {  	s19 =	simm.s32 $0x17200  }
0xc3: {  	[tilespmem:s19], [sflag:$0x4] =	stream.indirect_vreg.gather [hbm4b:s5+s3], $0x80, v4, vm0, $0xb8;
	[tilespmem:$0x1C200] =	vst v63  }
0xc4: {  	s20 =	simm.s32 $0x17A00  }
0xc5: {  	[tilespmem:s20], [sflag:$0x4] =	stream.indirect_vreg.gather [hbm4b:s5+s3], $0x80, v3, vm0, $0xb8;
	[tilespmem:$0x1C200] =	vst v63  }
0xc6: {  	v3 =	vld [tilespmem:$0x100];
	_ =	sdelay $0x4  }
0xc7: {  	v60 =	vshll.u32 v3, $0x1  }
0xc8: {  	v3 =	vand.u32 $0x7, v3;
	v4 =	vand.u32 $0xFFFFFFF0, v60  }
0xc9: {  	v3 =	vor.u32 v3, v4  }
0xca: {  	v4 =	vperm.xlane v3, v0;
	_ =	sdelay $0x1  }
0xcb: {  	v3 =	vperm.xlane v3, v2;
	v4 =	vadd.s32 v1, v4;
	_ =	sdelay $0x1  }
0xcc: {  	v3 =	vadd.s32 v1, v3;
	_ =	sdelay $0x2  }
0xcd: {  	[tilespmem:s22], [sflag:$0x5] =	stream.indirect_vreg.gather [hbm4b:s5+s3], $0x80, v4, vm0, $0xb8;
	[tilespmem:$0x1C200] =	vst v63  }
0xce: {  	s21 =	simm.s32 $0x18A00  }
0xcf: {  	[tilespmem:s21], [sflag:$0x5] =	stream.indirect_vreg.gather [hbm4b:s5+s3], $0x80, v3, vm0, $0xb8;
	[tilespmem:$0x1C200] =	vst v63  }
0xd0: {  	v3 =	vld [tilespmem:$0x110];
	_ =	sdelay $0x4  }
0xd1: {  	v61 =	vshll.u32 v3, $0x1  }
0xd2: {  	v3 =	vand.u32 $0x7, v3;
	v4 =	vand.u32 $0xFFFFFFF0, v61  }
0xd3: {  	v3 =	vor.u32 v3, v4  }
0xd4: {  	v4 =	vperm.xlane v3, v0;
	_ =	sdelay $0x1  }
0xd5: {  	v3 =	vperm.xlane v3, v2;
	v4 =	vadd.s32 v1, v4;
	_ =	sdelay $0x1  }
0xd6: {  	v3 =	vadd.s32 v1, v3;
	_ =	sdelay $0x1  }
0xd7: {  	s24 =	simm.s32 $0x19200  }
0xd8: {  	[tilespmem:s24], [sflag:$0x5] =	stream.indirect_vreg.gather [hbm4b:s5+s3], $0x80, v4, vm0, $0xb8;
	[tilespmem:$0x1C200] =	vst v63  }
0xd9: {  	s25 =	simm.s32 $0x19A00  }
0xda: {  	[tilespmem:s25], [sflag:$0x5] =	stream.indirect_vreg.gather [hbm4b:s5+s3], $0x80, v3, vm0, $0xb8;
	[tilespmem:$0x1C200] =	vst v63  }
0xdb: {  	v3 =	vld [tilespmem:$0x120];
	_ =	sdelay $0x4  }
0xdc: {  	v62 =	vshll.u32 v3, $0x1  }
0xdd: {  	v3 =	vand.u32 $0x7, v3;
	v4 =	vand.u32 $0xFFFFFFF0, v62  }
0xde: {  	v3 =	vor.u32 v3, v4  }
0xdf: {  	v4 =	vperm.xlane v3, v0;
	_ =	sdelay $0x1  }
0xe0: {  	v3 =	vperm.xlane v3, v2;
	v4 =	vadd.s32 v1, v4;
	_ =	sdelay $0x1  }
0xe1: {  	v3 =	vadd.s32 v1, v3;
	_ =	sdelay $0x1  }
0xe2: {  	s26 =	simm.s32 $0x1A200  }
0xe3: {  	[tilespmem:s26], [sflag:$0x5] =	stream.indirect_vreg.gather [hbm4b:s5+s3], $0x80, v4, vm0, $0xb8;
	[tilespmem:$0x1C200] =	vst v63  }
0xe4: {  	s30 =	simm.s32 $0x1AA00  }
0xe5: {  	[tilespmem:s30], [sflag:$0x5] =	stream.indirect_vreg.gather [hbm4b:s5+s3], $0x80, v3, vm0, $0xb8;
	[tilespmem:$0x1C200] =	vst v63  }
0xe6: {  	v3 =	vld [tilespmem:$0x130];
	_ =	sdelay $0x4  }
0xe7: {  	v63 =	vshll.u32 v3, $0x1  }
0xe8: {  	v3 =	vand.u32 $0x7, v3;
	v4 =	vand.u32 $0xFFFFFFF0, v63  }
0xe9: {  	v3 =	vor.u32 v3, v4  }
0xea: {  	v4 =	vperm.xlane v3, v0;
	_ =	sdelay $0x1  }
0xeb: {  	v3 =	vperm.xlane v3, v2;
	v4 =	vadd.s32 v1, v4;
	_ =	sdelay $0x1  }
0xec: {  	v3 =	vadd.s32 v1, v3  }
0xed: {  	s18 =	simm.s32 $0x270  }
0xee: {  	s28 =	simm.s32 $0xAA00;
	s29 =	simm.s32 $0xD200;
	s26 =	simm.s32 $0x1B200  }
0xef: {  	[tilespmem:s26], [sflag:$0x5] =	stream.indirect_vreg.gather [hbm4b:s5+s3], $0x80, v4, vm0, $0xb8;
	[tilespmem:$0x1C200] =	vst v63  }
0xf0: {  	s31 =	simm.s32 $0x1BA00;
	s19 =	simm.s32 $0x0;
	s20 =	simm.s32 $0x0  }
0xf1: {  	[tilespmem:s31], [sflag:$0x5] =	stream.indirect_vreg.gather [hbm4b:s5+s3], $0x80, v3, vm0, $0xb8;
	[tilespmem:$0x1C200] =	vst v63  }
.LBB2_2:
0xf2: {  	s21 =	sshrl.u32 s20, $0x3  }
0xf3: {  	s21 =	sadd.s32 s4, s21  }
0xf4: {  	s24 =	smulhi.u32 $0x3F03F04, s21;
	_ =	sdelay $0x1  }
0xf5: {  	s25 =	sand.u32 $0x1C0, s19;
	s24 =	smul.u32 $0x41, s24  }
0xf6: {  	s25 =	sor.u32 s6, s25  }
0xf7: {  	_ =	swait.ge [sflag:s0], $0x4000;
	s30 =	sshll.u32 s25, $0x5;
	s21 =	ssub.s32 s21, s24  }
0xf8: {  	[sflag:s0] =	ssyncset.done $0x0;
	s24 =	sadd.s32 s2, s30;
	s21 =	sshll.u32 s21, $0x13  }
0xf9: {  	[sflag:s0] =	ssyncadd.s32 $0xFFFFC000;
	s21 =	sadd.s32 s21, s24;
	s24 =	sadd.s32 $0x1, s20  }
0xfa: {  	[hbm4b:s21+s3] =	stream.linear.scatter [tilespmem:s15], [sflag:$0x6], $0x4000, $0x38;
	[tilespmem:$0x1C200] =	vst v63  }
0xfb: {  	s21 =	sshrl.u32 s24, $0x3  }
0xfc: {  	s21 =	sadd.s32 s4, s21  }
0xfd: {  	s25 =	smulhi.u32 $0x3F03F04, s21  }
0xfe: {  	s30 =	sadd.s32 $0x40, s19  }
0xff: {  	s24 =	smul.u32 $0x41, s25;
	s25 =	sand.u32 $0x1C0, s30  }
0x100: {  	s25 =	sor.u32 s6, s25  }
0x101: {  	_ =	swait.ge [sflag:s7], $0x4000;
	s21 =	ssub.s32 s21, s24;
	s30 =	sshll.u32 s25, $0x5  }
0x102: {  	[sflag:s7] =	ssyncset.done $0x0;
	s21 =	sshll.u32 s21, $0x13;
	s24 =	sadd.s32 s2, s30  }
0x103: {  	[sflag:s7] =	ssyncadd.s32 $0xFFFFC000;
	s21 =	sadd.s32 s21, s24;
	s24 =	sadd.s32 $0x2, s20  }
0x104: {  	[hbm4b:s21+s3] =	stream.linear.scatter [tilespmem:s23], [sflag:$0x7], $0x4000, $0x38;
	[tilespmem:$0x1C200] =	vst v63  }
0x105: {  	s21 =	sshrl.u32 s24, $0x3  }
0x106: {  	s21 =	sadd.s32 s4, s21  }
0x107: {  	s25 =	smulhi.u32 $0x3F03F04, s21  }
0x108: {  	s30 =	sadd.s32 $0x80, s19  }
0x109: {  	s24 =	smul.u32 $0x41, s25;
	s25 =	sand.u32 $0x1C0, s30  }
0x10a: {  	s25 =	sor.u32 s6, s25  }
0x10b: {  	_ =	swait.ge [sflag:s8], $0x4000;
	s21 =	ssub.s32 s21, s24;
	s30 =	sshll.u32 s25, $0x5  }
0x10c: {  	[sflag:s8] =	ssyncset.done $0x0;
	s21 =	sshll.u32 s21, $0x13;
	s24 =	sadd.s32 s2, s30  }
0x10d: {  	[sflag:s8] =	ssyncadd.s32 $0xFFFFC000;
	s21 =	sadd.s32 s21, s24;
	s24 =	sadd.s32 $0x3, s20  }
0x10e: {  	[hbm4b:s21+s3] =	stream.linear.scatter [tilespmem:s1], [sflag:$0x8], $0x4000, $0x38;
	[tilespmem:$0x1C200] =	vst v63  }
0x10f: {  	s21 =	sshrl.u32 s24, $0x3  }
0x110: {  	s21 =	sadd.s32 s4, s21  }
0x111: {  	s25 =	smulhi.u32 $0x3F03F04, s21  }
0x112: {  	s30 =	sadd.s32 $0xC0, s19  }
0x113: {  	s24 =	smul.u32 $0x41, s25;
	s25 =	sand.u32 $0x1C0, s30  }
0x114: {  	s25 =	sor.u32 s6, s25  }
0x115: {  	_ =	swait.ge [sflag:s9], $0x4000;
	s21 =	ssub.s32 s21, s24;
	s30 =	sshll.u32 s25, $0x5  }
0x116: {  	[sflag:s9] =	ssyncset.done $0x0;
	s21 =	sshll.u32 s21, $0x13;
	s24 =	sadd.s32 s2, s30  }
0x117: {  	[sflag:s9] =	ssyncadd.s32 $0xFFFFC000;
	s21 =	sadd.s32 s21, s24;
	s24 =	sadd.s32 $0x4, s20  }
0x118: {  	[hbm4b:s21+s3] =	stream.linear.scatter [tilespmem:s13], [sflag:$0x9], $0x4000, $0x38;
	[tilespmem:$0x1C200] =	vst v63  }
0x119: {  	s21 =	sshrl.u32 s24, $0x3  }
0x11a: {  	s21 =	sadd.s32 s4, s21  }
0x11b: {  	s25 =	smulhi.u32 $0x3F03F04, s21  }
0x11c: {  	s30 =	sadd.s32 $0x100, s19  }
0x11d: {  	s24 =	smul.u32 $0x41, s25;
	s25 =	sand.u32 $0x1C0, s30  }
0x11e: {  	s25 =	sor.u32 s6, s25  }
0x11f: {  	_ =	swait.ge [sflag:s10], $0x4000;
	s21 =	ssub.s32 s21, s24;
	s30 =	sshll.u32 s25, $0x5  }
0x120: {  	[sflag:s10] =	ssyncset.done $0x0;
	s21 =	sshll.u32 s21, $0x13;
	s24 =	sadd.s32 s2, s30  }
0x121: {  	[sflag:s10] =	ssyncadd.s32 $0xFFFFC000;
	s21 =	sadd.s32 s21, s24  }
0x122: {  	[hbm4b:s21+s3] =	stream.linear.scatter [tilespmem:s22], [sflag:$0xA], $0x4000, $0x38;
	[tilespmem:$0x1C200] =	vst v63  }
0x123: {  	_ =	swait.ge [sflag:s11], $0x4000  }
0x124: {  	[sflag:s11] =	ssyncset.done $0x0  }
0x125: {  	[sflag:s11] =	ssyncadd.s32 $0xFFFFC000  }
0x126: {  	v3 =	vld [tilespmem:s18+$0xFFFFFED0];
	_ =	sdelay $0x4  }
0x127: {  	v4 =	vshll.u32 v3, $0x1  }
0x128: {  	v3 =	vand.u32 $0x7, v3;
	v4 =	vand.u32 $0xFFFFFFF0, v4  }
0x129: {  	v3 =	vor.u32 v3, v4  }
0x12a: {  	v4 =	vperm.xlane v3, v0;
	_ =	sdelay $0x1  }
0x12b: {  	v3 =	vperm.xlane v3, v2;
	v4 =	vadd.s32 v1, v4;
	_ =	sdelay $0x1  }
0x12c: {  	v3 =	vadd.s32 v1, v3;
	_ =	sdelay $0x2  }
0x12d: {  	[tilespmem:s15], [sflag:$0x1] =	stream.indirect_vreg.gather [hbm4b:s5+s3], $0x80, v4, vm0, $0xb8;
	[tilespmem:$0x1C200] =	vst v63  }
0x12e: {  	s21 =	simm.s32 $0x8A00  }
0x12f: {  	[tilespmem:s21], [sflag:$0x1] =	stream.indirect_vreg.gather [hbm4b:s5+s3], $0x80, v3, vm0, $0xb8;
	[tilespmem:$0x1C200] =	vst v63  }
0x130: {  	v3 =	vld [tilespmem:s18+$0xFFFFFEE0];
	_ =	sdelay $0x4  }
0x131: {  	v45 =	vshll.u32 v3, $0x1  }
0x132: {  	v3 =	vand.u32 $0x7, v3;
	v4 =	vand.u32 $0xFFFFFFF0, v45  }
0x133: {  	v3 =	vor.u32 v3, v4  }
0x134: {  	v4 =	vperm.xlane v3, v0;
	_ =	sdelay $0x1  }
0x135: {  	v3 =	vperm.xlane v3, v2;
	v4 =	vadd.s32 v1, v4;
	_ =	sdelay $0x1  }
0x136: {  	v3 =	vadd.s32 v1, v3;
	_ =	sdelay $0x1  }
0x137: {  	s24 =	simm.s32 $0x9200  }
0x138: {  	[tilespmem:s24], [sflag:$0x1] =	stream.indirect_vreg.gather [hbm4b:s5+s3], $0x80, v4, vm0, $0xb8;
	[tilespmem:$0x1C200] =	vst v63  }
0x139: {  	s25 =	simm.s32 $0x9A00  }
0x13a: {  	[tilespmem:s25], [sflag:$0x1] =	stream.indirect_vreg.gather [hbm4b:s5+s3], $0x80, v3, vm0, $0xb8;
	[tilespmem:$0x1C200] =	vst v63  }
0x13b: {  	v3 =	vld [tilespmem:s18+$0xFFFFFEF0];
	_ =	sdelay $0x4  }
0x13c: {  	v46 =	vshll.u32 v3, $0x1  }
0x13d: {  	v3 =	vand.u32 $0x7, v3;
	v4 =	vand.u32 $0xFFFFFFF0, v46  }
0x13e: {  	v3 =	vor.u32 v3, v4  }
0x13f: {  	v4 =	vperm.xlane v3, v0;
	_ =	sdelay $0x1  }
0x140: {  	v3 =	vperm.xlane v3, v2;
	v4 =	vadd.s32 v1, v4;
	_ =	sdelay $0x1  }
0x141: {  	v3 =	vadd.s32 v1, v3;
	_ =	sdelay $0x1  }
0x142: {  	s30 =	simm.s32 $0xA200  }
0x143: {  	[tilespmem:s30], [sflag:$0x1] =	stream.indirect_vreg.gather [hbm4b:s5+s3], $0x80, v4, vm0, $0xb8;
	[tilespmem:$0x1C200] =	vst v63  }
0x144: {  	_ = 	snop  }
0x145: {  	[tilespmem:s28], [sflag:$0x1] =	stream.indirect_vreg.gather [hbm4b:s5+s3], $0x80, v3, vm0, $0xb8;
	[tilespmem:$0x1C200] =	vst v63  }
0x146: {  	v3 =	vld [tilespmem:s18+$0xFFFFFF00];
	_ =	sdelay $0x4  }
0x147: {  	v47 =	vshll.u32 v3, $0x1  }
0x148: {  	v3 =	vand.u32 $0x7, v3;
	v4 =	vand.u32 $0xFFFFFFF0, v47  }
0x149: {  	v3 =	vor.u32 v3, v4  }
0x14a: {  	v4 =	vperm.xlane v3, v0;
	_ =	sdelay $0x1  }
0x14b: {  	v3 =	vperm.xlane v3, v2;
	v4 =	vadd.s32 v1, v4;
	_ =	sdelay $0x1  }
0x14c: {  	v3 =	vadd.s32 v1, v3;
	_ =	sdelay $0x1  }
0x14d: {  	s30 =	simm.s32 $0xB200  }
0x14e: {  	[tilespmem:s30], [sflag:$0x1] =	stream.indirect_vreg.gather [hbm4b:s5+s3], $0x80, v4, vm0, $0xb8;
	[tilespmem:$0x1C200] =	vst v63  }
0x14f: {  	s30 =	simm.s32 $0xBA00  }
0x150: {  	[tilespmem:s30], [sflag:$0x1] =	stream.indirect_vreg.gather [hbm4b:s5+s3], $0x80, v3, vm0, $0xb8;
	[tilespmem:$0x1C200] =	vst v63  }
0x151: {  	_ =	swait.ge [sflag:s12], $0x4000  }
0x152: {  	[sflag:s12] =	ssyncset.done $0x0  }
0x153: {  	[sflag:s12] =	ssyncadd.s32 $0xFFFFC000  }
0x154: {  	v3 =	vld [tilespmem:s18+$0xFFFFFF10];
	_ =	sdelay $0x4  }
0x155: {  	v48 =	vshll.u32 v3, $0x1  }
0x156: {  	v3 =	vand.u32 $0x7, v3;
	v4 =	vand.u32 $0xFFFFFFF0, v48  }
0x157: {  	v3 =	vor.u32 v3, v4  }
0x158: {  	v4 =	vperm.xlane v3, v0;
	_ =	sdelay $0x1  }
0x159: {  	v3 =	vperm.xlane v3, v2;
	v4 =	vadd.s32 v1, v4;
	_ =	sdelay $0x1  }
0x15a: {  	v3 =	vadd.s32 v1, v3;
	_ =	sdelay $0x2  }
0x15b: {  	[tilespmem:s23], [sflag:$0x2] =	stream.indirect_vreg.gather [hbm4b:s5+s3], $0x80, v4, vm0, $0xb8;
	[tilespmem:$0x1C200] =	vst v63  }
0x15c: {  	s30 =	simm.s32 $0xCA00  }
0x15d: {  	[tilespmem:s30], [sflag:$0x2] =	stream.indirect_vreg.gather [hbm4b:s5+s3], $0x80, v3, vm0, $0xb8;
	[tilespmem:$0x1C200] =	vst v63  }
0x15e: {  	v3 =	vld [tilespmem:s18+$0xFFFFFF20];
	_ =	sdelay $0x4  }
0x15f: {  	v49 =	vshll.u32 v3, $0x1  }
0x160: {  	v3 =	vand.u32 $0x7, v3;
	v4 =	vand.u32 $0xFFFFFFF0, v49  }
0x161: {  	v3 =	vor.u32 v3, v4  }
0x162: {  	v4 =	vperm.xlane v3, v0;
	_ =	sdelay $0x1  }
0x163: {  	v3 =	vperm.xlane v3, v2;
	v4 =	vadd.s32 v1, v4;
	_ =	sdelay $0x1  }
0x164: {  	v3 =	vadd.s32 v1, v3;
	_ =	sdelay $0x2  }
0x165: {  	[tilespmem:s29], [sflag:$0x2] =	stream.indirect_vreg.gather [hbm4b:s5+s3], $0x80, v4, vm0, $0xb8;
	[tilespmem:$0x1C200] =	vst v63  }
0x166: {  	s30 =	simm.s32 $0xDA00  }
0x167: {  	[tilespmem:s30], [sflag:$0x2] =	stream.indirect_vreg.gather [hbm4b:s5+s3], $0x80, v3, vm0, $0xb8;
	[tilespmem:$0x1C200] =	vst v63  }
0x168: {  	v3 =	vld [tilespmem:s18+$0xFFFFFF30];
	_ =	sdelay $0x4  }
0x169: {  	v50 =	vshll.u32 v3, $0x1  }
0x16a: {  	v3 =	vand.u32 $0x7, v3;
	v4 =	vand.u32 $0xFFFFFFF0, v50  }
0x16b: {  	v3 =	vor.u32 v3, v4  }
0x16c: {  	v4 =	vperm.xlane v3, v0;
	_ =	sdelay $0x1  }
0x16d: {  	v3 =	vperm.xlane v3, v2;
	v4 =	vadd.s32 v1, v4;
	_ =	sdelay $0x1  }
0x16e: {  	v3 =	vadd.s32 v1, v3;
	_ =	sdelay $0x1  }
0x16f: {  	s30 =	simm.s32 $0xE200  }
0x170: {  	[tilespmem:s30], [sflag:$0x2] =	stream.indirect_vreg.gather [hbm4b:s5+s3], $0x80, v4, vm0, $0xb8;
	[tilespmem:$0x1C200] =	vst v63  }
0x171: {  	s30 =	simm.s32 $0xEA00  }
0x172: {  	[tilespmem:s30], [sflag:$0x2] =	stream.indirect_vreg.gather [hbm4b:s5+s3], $0x80, v3, vm0, $0xb8;
	[tilespmem:$0x1C200] =	vst v63  }
0x173: {  	v3 =	vld [tilespmem:s18+$0xFFFFFF40];
	_ =	sdelay $0x4  }
0x174: {  	v51 =	vshll.u32 v3, $0x1  }
0x175: {  	v3 =	vand.u32 $0x7, v3;
	v4 =	vand.u32 $0xFFFFFFF0, v51  }
0x176: {  	v3 =	vor.u32 v3, v4  }
0x177: {  	v4 =	vperm.xlane v3, v0;
	_ =	sdelay $0x1  }
0x178: {  	v3 =	vperm.xlane v3, v2;
	v4 =	vadd.s32 v1, v4;
	_ =	sdelay $0x1  }
0x179: {  	v3 =	vadd.s32 v1, v3;
	_ =	sdelay $0x1  }
0x17a: {  	s30 =	simm.s32 $0xF200  }
0x17b: {  	[tilespmem:s30], [sflag:$0x2] =	stream.indirect_vreg.gather [hbm4b:s5+s3], $0x80, v4, vm0, $0xb8;
	[tilespmem:$0x1C200] =	vst v63  }
0x17c: {  	s30 =	simm.s32 $0xFA00  }
0x17d: {  	[tilespmem:s30], [sflag:$0x2] =	stream.indirect_vreg.gather [hbm4b:s5+s3], $0x80, v3, vm0, $0xb8;
	[tilespmem:$0x1C200] =	vst v63  }
0x17e: {  	_ =	swait.ge [sflag:s14], $0x4000  }
0x17f: {  	[sflag:s14] =	ssyncset.done $0x0  }
0x180: {  	[sflag:s14] =	ssyncadd.s32 $0xFFFFC000  }
0x181: {  	v3 =	vld [tilespmem:s18+$0xFFFFFF50];
	_ =	sdelay $0x4  }
0x182: {  	v52 =	vshll.u32 v3, $0x1  }
0x183: {  	v3 =	vand.u32 $0x7, v3;
	v4 =	vand.u32 $0xFFFFFFF0, v52  }
0x184: {  	v3 =	vor.u32 v3, v4  }
0x185: {  	v4 =	vperm.xlane v3, v0;
	_ =	sdelay $0x1  }
0x186: {  	v3 =	vperm.xlane v3, v2;
	v4 =	vadd.s32 v1, v4;
	_ =	sdelay $0x1  }
0x187: {  	v3 =	vadd.s32 v1, v3;
	_ =	sdelay $0x2  }
0x188: {  	[tilespmem:s1], [sflag:$0x3] =	stream.indirect_vreg.gather [hbm4b:s5+s3], $0x80, v4, vm0, $0xb8;
	[tilespmem:$0x1C200] =	vst v63  }
0x189: {  	s30 =	simm.s32 $0x10A00  }
0x18a: {  	[tilespmem:s30], [sflag:$0x3] =	stream.indirect_vreg.gather [hbm4b:s5+s3], $0x80, v3, vm0, $0xb8;
	[tilespmem:$0x1C200] =	vst v63  }
0x18b: {  	v3 =	vld [tilespmem:s18+$0xFFFFFF60];
	_ =	sdelay $0x4  }
0x18c: {  	v53 =	vshll.u32 v3, $0x1  }
0x18d: {  	v3 =	vand.u32 $0x7, v3;
	v4 =	vand.u32 $0xFFFFFFF0, v53  }
0x18e: {  	v3 =	vor.u32 v3, v4  }
0x18f: {  	v4 =	vperm.xlane v3, v0;
	_ =	sdelay $0x1  }
0x190: {  	v3 =	vperm.xlane v3, v2;
	v4 =	vadd.s32 v1, v4;
	_ =	sdelay $0x1  }
0x191: {  	v3 =	vadd.s32 v1, v3;
	_ =	sdelay $0x1  }
0x192: {  	s30 =	simm.s32 $0x11200  }
0x193: {  	[tilespmem:s30], [sflag:$0x3] =	stream.indirect_vreg.gather [hbm4b:s5+s3], $0x80, v4, vm0, $0xb8;
	[tilespmem:$0x1C200] =	vst v63  }
0x194: {  	s30 =	simm.s32 $0x11A00  }
0x195: {  	[tilespmem:s30], [sflag:$0x3] =	stream.indirect_vreg.gather [hbm4b:s5+s3], $0x80, v3, vm0, $0xb8;
	[tilespmem:$0x1C200] =	vst v63  }
0x196: {  	v3 =	vld [tilespmem:s18+$0xFFFFFF70];
	_ =	sdelay $0x4  }
0x197: {  	v54 =	vshll.u32 v3, $0x1  }
0x198: {  	v3 =	vand.u32 $0x7, v3;
	v4 =	vand.u32 $0xFFFFFFF0, v54  }
0x199: {  	v3 =	vor.u32 v3, v4  }
0x19a: {  	v4 =	vperm.xlane v3, v0;
	_ =	sdelay $0x1  }
0x19b: {  	v3 =	vperm.xlane v3, v2;
	v4 =	vadd.s32 v1, v4;
	_ =	sdelay $0x1  }
0x19c: {  	v3 =	vadd.s32 v1, v3;
	_ =	sdelay $0x1  }
0x19d: {  	s30 =	simm.s32 $0x12200  }
0x19e: {  	[tilespmem:s30], [sflag:$0x3] =	stream.indirect_vreg.gather [hbm4b:s5+s3], $0x80, v4, vm0, $0xb8;
	[tilespmem:$0x1C200] =	vst v63  }
0x19f: {  	s30 =	simm.s32 $0x12A00  }
0x1a0: {  	[tilespmem:s30], [sflag:$0x3] =	stream.indirect_vreg.gather [hbm4b:s5+s3], $0x80, v3, vm0, $0xb8;
	[tilespmem:$0x1C200] =	vst v63  }
0x1a1: {  	v3 =	vld [tilespmem:s18+$0xFFFFFF80];
	_ =	sdelay $0x4  }
0x1a2: {  	v55 =	vshll.u32 v3, $0x1  }
0x1a3: {  	v3 =	vand.u32 $0x7, v3;
	v4 =	vand.u32 $0xFFFFFFF0, v55  }
0x1a4: {  	v3 =	vor.u32 v3, v4  }
0x1a5: {  	v4 =	vperm.xlane v3, v0;
	_ =	sdelay $0x1  }
0x1a6: {  	v3 =	vperm.xlane v3, v2;
	v4 =	vadd.s32 v1, v4;
	_ =	sdelay $0x1  }
0x1a7: {  	v3 =	vadd.s32 v1, v3;
	_ =	sdelay $0x1  }
0x1a8: {  	s30 =	simm.s32 $0x13200  }
0x1a9: {  	[tilespmem:s30], [sflag:$0x3] =	stream.indirect_vreg.gather [hbm4b:s5+s3], $0x80, v4, vm0, $0xb8;
	[tilespmem:$0x1C200] =	vst v63  }
0x1aa: {  	s30 =	simm.s32 $0x13A00  }
0x1ab: {  	[tilespmem:s30], [sflag:$0x3] =	stream.indirect_vreg.gather [hbm4b:s5+s3], $0x80, v3, vm0, $0xb8;
	[tilespmem:$0x1C200] =	vst v63  }
0x1ac: {  	_ =	swait.ge [sflag:s16], $0x4000  }
0x1ad: {  	[sflag:s16] =	ssyncset.done $0x0  }
0x1ae: {  	[sflag:s16] =	ssyncadd.s32 $0xFFFFC000  }
0x1af: {  	v3 =	vld [tilespmem:s18+$0xFFFFFF90];
	_ =	sdelay $0x4  }
0x1b0: {  	v56 =	vshll.u32 v3, $0x1  }
0x1b1: {  	v3 =	vand.u32 $0x7, v3;
	v4 =	vand.u32 $0xFFFFFFF0, v56  }
0x1b2: {  	v3 =	vor.u32 v3, v4  }
0x1b3: {  	v4 =	vperm.xlane v3, v0;
	_ =	sdelay $0x1  }
0x1b4: {  	v3 =	vperm.xlane v3, v2;
	v4 =	vadd.s32 v1, v4;
	_ =	sdelay $0x1  }
0x1b5: {  	v3 =	vadd.s32 v1, v3;
	_ =	sdelay $0x2  }
0x1b6: {  	[tilespmem:s13], [sflag:$0x4] =	stream.indirect_vreg.gather [hbm4b:s5+s3], $0x80, v4, vm0, $0xb8;
	[tilespmem:$0x1C200] =	vst v63  }
0x1b7: {  	s30 =	simm.s32 $0x14A00  }
0x1b8: {  	[tilespmem:s30], [sflag:$0x4] =	stream.indirect_vreg.gather [hbm4b:s5+s3], $0x80, v3, vm0, $0xb8;
	[tilespmem:$0x1C200] =	vst v63  }
0x1b9: {  	v3 =	vld [tilespmem:s18+$0xFFFFFFA0];
	_ =	sdelay $0x4  }
0x1ba: {  	v57 =	vshll.u32 v3, $0x1  }
0x1bb: {  	v3 =	vand.u32 $0x7, v3;
	v4 =	vand.u32 $0xFFFFFFF0, v57  }
0x1bc: {  	v3 =	vor.u32 v3, v4  }
0x1bd: {  	v4 =	vperm.xlane v3, v0;
	_ =	sdelay $0x1  }
0x1be: {  	v3 =	vperm.xlane v3, v2;
	v4 =	vadd.s32 v1, v4;
	_ =	sdelay $0x1  }
0x1bf: {  	v3 =	vadd.s32 v1, v3;
	_ =	sdelay $0x1  }
0x1c0: {  	s30 =	simm.s32 $0x15200  }
0x1c1: {  	[tilespmem:s30], [sflag:$0x4] =	stream.indirect_vreg.gather [hbm4b:s5+s3], $0x80, v4, vm0, $0xb8;
	[tilespmem:$0x1C200] =	vst v63  }
0x1c2: {  	s30 =	simm.s32 $0x15A00  }
0x1c3: {  	[tilespmem:s30], [sflag:$0x4] =	stream.indirect_vreg.gather [hbm4b:s5+s3], $0x80, v3, vm0, $0xb8;
	[tilespmem:$0x1C200] =	vst v63  }
0x1c4: {  	v3 =	vld [tilespmem:s18+$0xFFFFFFB0];
	_ =	sdelay $0x4  }
0x1c5: {  	v58 =	vshll.u32 v3, $0x1  }
0x1c6: {  	v3 =	vand.u32 $0x7, v3;
	v4 =	vand.u32 $0xFFFFFFF0, v58  }
0x1c7: {  	v3 =	vor.u32 v3, v4  }
0x1c8: {  	v4 =	vperm.xlane v3, v0;
	_ =	sdelay $0x1  }
0x1c9: {  	v3 =	vperm.xlane v3, v2;
	v4 =	vadd.s32 v1, v4;
	_ =	sdelay $0x1  }
0x1ca: {  	v3 =	vadd.s32 v1, v3;
	_ =	sdelay $0x1  }
0x1cb: {  	s30 =	simm.s32 $0x16200  }
0x1cc: {  	[tilespmem:s30], [sflag:$0x4] =	stream.indirect_vreg.gather [hbm4b:s5+s3], $0x80, v4, vm0, $0xb8;
	[tilespmem:$0x1C200] =	vst v63  }
0x1cd: {  	s30 =	simm.s32 $0x16A00  }
0x1ce: {  	[tilespmem:s30], [sflag:$0x4] =	stream.indirect_vreg.gather [hbm4b:s5+s3], $0x80, v3, vm0, $0xb8;
	[tilespmem:$0x1C200] =	vst v63  }
0x1cf: {  	v3 =	vld [tilespmem:s18+$0xFFFFFFC0];
	_ =	sdelay $0x4  }
0x1d0: {  	v59 =	vshll.u32 v3, $0x1  }
0x1d1: {  	v3 =	vand.u32 $0x7, v3;
	v4 =	vand.u32 $0xFFFFFFF0, v59  }
0x1d2: {  	v3 =	vor.u32 v3, v4  }
0x1d3: {  	v4 =	vperm.xlane v3, v0;
	_ =	sdelay $0x1  }
0x1d4: {  	v3 =	vperm.xlane v3, v2;
	v4 =	vadd.s32 v1, v4;
	_ =	sdelay $0x1  }
0x1d5: {  	v3 =	vadd.s32 v1, v3;
	_ =	sdelay $0x1  }
0x1d6: {  	s30 =	simm.s32 $0x17200  }
0x1d7: {  	[tilespmem:s30], [sflag:$0x4] =	stream.indirect_vreg.gather [hbm4b:s5+s3], $0x80, v4, vm0, $0xb8;
	[tilespmem:$0x1C200] =	vst v63  }
0x1d8: {  	s30 =	simm.s32 $0x17A00  }
0x1d9: {  	[tilespmem:s30], [sflag:$0x4] =	stream.indirect_vreg.gather [hbm4b:s5+s3], $0x80, v3, vm0, $0xb8;
	[tilespmem:$0x1C200] =	vst v63  }
0x1da: {  	_ =	swait.ge [sflag:s17], $0x4000  }
0x1db: {  	[sflag:s17] =	ssyncset.done $0x0  }
0x1dc: {  	[sflag:s17] =	ssyncadd.s32 $0xFFFFC000  }
0x1dd: {  	v3 =	vld [tilespmem:s18+$0xFFFFFFD0];
	_ =	sdelay $0x4  }
0x1de: {  	v60 =	vshll.u32 v3, $0x1  }
0x1df: {  	v3 =	vand.u32 $0x7, v3;
	v4 =	vand.u32 $0xFFFFFFF0, v60  }
0x1e0: {  	v3 =	vor.u32 v3, v4  }
0x1e1: {  	v4 =	vperm.xlane v3, v0;
	_ =	sdelay $0x1  }
0x1e2: {  	v3 =	vperm.xlane v3, v2;
	v4 =	vadd.s32 v1, v4;
	_ =	sdelay $0x1  }
0x1e3: {  	v3 =	vadd.s32 v1, v3;
	_ =	sdelay $0x2  }
0x1e4: {  	[tilespmem:s22], [sflag:$0x5] =	stream.indirect_vreg.gather [hbm4b:s5+s3], $0x80, v4, vm0, $0xb8;
	[tilespmem:$0x1C200] =	vst v63  }
0x1e5: {  	s30 =	simm.s32 $0x18A00  }
0x1e6: {  	[tilespmem:s30], [sflag:$0x5] =	stream.indirect_vreg.gather [hbm4b:s5+s3], $0x80, v3, vm0, $0xb8;
	[tilespmem:$0x1C200] =	vst v63  }
0x1e7: {  	v3 =	vld [tilespmem:s18+$0xFFFFFFE0];
	_ =	sdelay $0x4  }
0x1e8: {  	v61 =	vshll.u32 v3, $0x1  }
0x1e9: {  	v3 =	vand.u32 $0x7, v3;
	v4 =	vand.u32 $0xFFFFFFF0, v61  }
0x1ea: {  	v3 =	vor.u32 v3, v4  }
0x1eb: {  	v4 =	vperm.xlane v3, v0;
	_ =	sdelay $0x1  }
0x1ec: {  	v3 =	vperm.xlane v3, v2;
	v4 =	vadd.s32 v1, v4;
	_ =	sdelay $0x1  }
0x1ed: {  	v3 =	vadd.s32 v1, v3;
	_ =	sdelay $0x1  }
0x1ee: {  	s30 =	simm.s32 $0x19200  }
0x1ef: {  	[tilespmem:s30], [sflag:$0x5] =	stream.indirect_vreg.gather [hbm4b:s5+s3], $0x80, v4, vm0, $0xb8;
	[tilespmem:$0x1C200] =	vst v63  }
0x1f0: {  	s30 =	simm.s32 $0x19A00  }
0x1f1: {  	[tilespmem:s30], [sflag:$0x5] =	stream.indirect_vreg.gather [hbm4b:s5+s3], $0x80, v3, vm0, $0xb8;
	[tilespmem:$0x1C200] =	vst v63  }
0x1f2: {  	v3 =	vld [tilespmem:s18+$0xFFFFFFF0];
	_ =	sdelay $0x4  }
0x1f3: {  	v62 =	vshll.u32 v3, $0x1  }
0x1f4: {  	v3 =	vand.u32 $0x7, v3;
	v4 =	vand.u32 $0xFFFFFFF0, v62  }
0x1f5: {  	v3 =	vor.u32 v3, v4  }
0x1f6: {  	v4 =	vperm.xlane v3, v0;
	_ =	sdelay $0x1  }
0x1f7: {  	v3 =	vperm.xlane v3, v2;
	v4 =	vadd.s32 v1, v4;
	_ =	sdelay $0x1  }
0x1f8: {  	v3 =	vadd.s32 v1, v3;
	_ =	sdelay $0x1  }
0x1f9: {  	s30 =	simm.s32 $0x1A200  }
0x1fa: {  	[tilespmem:s30], [sflag:$0x5] =	stream.indirect_vreg.gather [hbm4b:s5+s3], $0x80, v4, vm0, $0xb8;
	[tilespmem:$0x1C200] =	vst v63  }
0x1fb: {  	s30 =	simm.s32 $0x1AA00  }
0x1fc: {  	[tilespmem:s30], [sflag:$0x5] =	stream.indirect_vreg.gather [hbm4b:s5+s3], $0x80, v3, vm0, $0xb8;
	[tilespmem:$0x1C200] =	vst v63  }
0x1fd: {  	v3 =	vld [tilespmem:s18+$0x0];
	_ =	sdelay $0x4  }
0x1fe: {  	v63 =	vshll.u32 v3, $0x1  }
0x1ff: {  	v3 =	vand.u32 $0x7, v3;
	v4 =	vand.u32 $0xFFFFFFF0, v63  }
0x200: {  	v3 =	vor.u32 v3, v4  }
0x201: {  	v4 =	vperm.xlane v3, v0;
	_ =	sdelay $0x1  }
0x202: {  	v3 =	vperm.xlane v3, v2;
	v4 =	vadd.s32 v1, v4;
	_ =	sdelay $0x1  }
0x203: {  	p0 =	sne.s32 s20, $0x1FE;
	v3 =	vadd.s32 v1, v3  }
.Ltmp0:
0x204: {  	_ = 	snop;
	(pc) =	sbr.rel @p0 .LBB2_2-.Ltmp0, $4  }
0x205: {  	_ = 	snop  }
0x206: {  	[tilespmem:s26], [sflag:$0x5] =	stream.indirect_vreg.gather [hbm4b:s5+s3], $0x80, v4, vm0, $0xb8;
	[tilespmem:$0x1C200] =	vst v63  }
0x207: {  	s19 =	sadd.s32 $0x140, s19;
	s20 =	sadd.s32 $0x5, s20;
	s18 =	sadd.s32 $0x140, s18  }
0x208: {  	[tilespmem:s31], [sflag:$0x5] =	stream.indirect_vreg.gather [hbm4b:s5+s3], $0x80, v3, vm0, $0xb8;
	[tilespmem:$0x1C200] =	vst v63  }
0x209: {  	_ =	swait.ge [sflag:s0], $0x4000  }
0x20a: {  	[sflag:s0] =	ssyncset.done $0x0  }
0x20b: {  	s18 =	rddreg [dreg:$0x4];
	[sflag:s0] =	ssyncadd.s32 $0xFFFFC000  }
0x20c: {  	[hbm4b:s18+s3] =	stream.linear.scatter [tilespmem:s15], [sflag:$0x6], $0x4000, $0x38;
	[tilespmem:$0x1C200] =	vst v63  }
0x20d: {  	_ =	swait.ge [sflag:s7], $0x4000  }
0x20e: {  	[sflag:s7] =	ssyncset.done $0x0  }
0x20f: {  	s20 =	rddreg [dreg:$0x5];
	[sflag:s7] =	ssyncadd.s32 $0xFFFFC000  }
0x210: {  	[hbm4b:s20+s3] =	stream.linear.scatter [tilespmem:s23], [sflag:$0x7], $0x4000, $0x38;
	[tilespmem:$0x1C200] =	vst v63  }
0x211: {  	_ =	swait.ge [sflag:s8], $0x4000  }
0x212: {  	[sflag:s8] =	ssyncset.done $0x0  }
0x213: {  	s26 =	rddreg [dreg:$0x6];
	[sflag:s8] =	ssyncadd.s32 $0xFFFFC000  }
0x214: {  	[hbm4b:s26+s3] =	stream.linear.scatter [tilespmem:s1], [sflag:$0x8], $0x4000, $0x38;
	[tilespmem:$0x1C200] =	vst v63  }
0x215: {  	_ =	swait.ge [sflag:s9], $0x4000  }
0x216: {  	[sflag:s9] =	ssyncset.done $0x0  }
0x217: {  	s19 =	rddreg [dreg:$0x7];
	[sflag:s9] =	ssyncadd.s32 $0xFFFFC000  }
0x218: {  	[hbm4b:s19+s3] =	stream.linear.scatter [tilespmem:s13], [sflag:$0x9], $0x4000, $0x38;
	[tilespmem:$0x1C200] =	vst v63  }
0x219: {  	_ =	swait.ge [sflag:s10], $0x4000  }
0x21a: {  	[sflag:s10] =	ssyncset.done $0x0  }
0x21b: {  	s20 =	rddreg [dreg:$0x8];
	[sflag:s10] =	ssyncadd.s32 $0xFFFFC000  }
0x21c: {  	[hbm4b:s20+s3] =	stream.linear.scatter [tilespmem:s22], [sflag:$0xA], $0x4000, $0x38;
	[tilespmem:$0x1C200] =	vst v63  }
0x21d: {  	_ =	swait.ge [sflag:s11], $0x4000  }
0x21e: {  	[sflag:s11] =	ssyncset.done $0x0  }
0x21f: {  	[sflag:s11] =	ssyncadd.s32 $0xFFFFC000  }
0x220: {  	_ =	swait.ge [sflag:s12], $0x4000  }
0x221: {  	[sflag:s12] =	ssyncset.done $0x0  }
0x222: {  	[sflag:s12] =	ssyncadd.s32 $0xFFFFC000  }
0x223: {  	_ =	swait.ge [sflag:s14], $0x4000  }
0x224: {  	[sflag:s14] =	ssyncset.done $0x0  }
0x225: {  	[sflag:s14] =	ssyncadd.s32 $0xFFFFC000  }
0x226: {  	_ =	swait.ge [sflag:s16], $0x4000  }
0x227: {  	[sflag:s16] =	ssyncset.done $0x0  }
0x228: {  	[sflag:s16] =	ssyncadd.s32 $0xFFFFC000  }
0x229: {  	_ =	swait.ge [sflag:s17], $0x4000  }
0x22a: {  	s19 =	rddreg [dreg:$0xa]  }
0x22b: {  	s26 =	rddreg [dreg:$0x9];
	s19 =	sadd.s32 $0x1, s19  }
0x22c: {  	p0 =	sne.s32 s19, s26  }
.Ltmp1:
0x22d: {  	_ = 	snop;
	(pc) =	sbr.rel @p0 .LBB2_1-.Ltmp1, $4  }
0x22e: {  	s28 =	simm.s32 $0xBA00  }
0x22f: {  	s29 =	simm.s32 $0xCA00;
	s30 =	simm.s32 $0xD200;
	[sflag:s17] =	ssyncset.done $0x0  }
0x230: {  	s31 =	simm.s32 $0xDA00;
	s20 =	simm.s32 $0xAA00;
	[sflag:s17] =	ssyncadd.s32 $0xFFFFC000  }
0x231: {  	[dreg:$0xa] =	wrdreg s19;
	s19 =	simm.s32 $0xA200;
	s26 =	simm.s32 $0xB200  }
0x232: {  	_ =	sfence.sel $0x180000  }
0x233: {  	[bflag:$0x0] =	sbarrier.arrive $0xFFFF  }
0x234: {  	_ =	strace $0x9000004A  }
0x235: {  	s0 =	stileid.u32;
	[bflag:$0x2] =	sbarrier.arrive $0xFFFF  }
0x236: {  	p0 =	sne.s32 s0, $0x0;
	s0 =	rddreg [dreg:$0x2]  }
0x237: {  	s0 =	sadd.s32 @!p0 $0x100000, s0  }
0x238: {  	[sflag:s0] =	ssyncadd.tile.s32 @!p0 $0x1;
	_ =	shalt  }
.Lfunc_end2:
_tile_overlayer_lowered:
.L_overlay_start_2:
0x239: {  	(tag) =	ssettag $0x2  }
0x23a: {  	s0 =	rddreg [dreg:$0x0];
	s2 =	stileid.u32  }
0x23b: {  	s1 =	rddreg [dreg:$0x1];
	p0 =	sne.s32 s2, $0x0  }
0x23c: {  	s3 =	rddreg [dreg:$0x2];
	[bflag:$0x3] =	sbarrier.arrive $0xFFFF;
	s2 =	simm.s32 @!p0 $0x1C0B  }
0x23d: {  	[timem:s3], [sflag:s2] =	dma.local @!p0 [hbm:s0], s1  }
0x23e: {  	s0 =	simm.s32 @!p0 $0xB  }
0x23f: {  	_ =	swait.ge @!p0 [sflag:s0], s1  }
0x240: {  	s1 =	ssub.s32 @!p0 $0x0, s1;
	[sflag:s0] =	ssyncset.done @!p0 $0x0  }
0x241: {  	[sflag:s0] =	ssyncadd.s32 @!p0 s1  }
0x242: {  	[bflag:$0x3] =	sbarrier.arrive $0xFFFF  }
0x243: {  	_ =	shalt  }

</sc_bundles>
